<compile_context>
chip_gen: v7x
topology: tpu7x:2x2x1
jax: 0.10.2.dev20260603
libtpu: 0.0.44.dev20260713+nightly
codegen_flags: <defaults>
</compile_context>

<pallas_src>
import dataclasses
import functools
import jax
import jax.numpy as jnp
from jax import lax
from jax.experimental import pallas as pl
from jax.experimental.pallas import tpu as pltpu
from jax.experimental.pallas import tpu_sc as plsc

NUM_EXPERTS = 16
HID = 1024
B_, C_, T_ = 2, 1024, 4096
TCB = 512
NT = T_ // TCB
LANES = 128
KSUB = TCB // LANES
NCHUNK = HID // 16



def _reduce_body(x_ref, sums_ref, acc_ref):
    j = pl.program_id(0)
    xb = x_ref[...]
    s = xb[:, :, 0 * LANES:1 * LANES]
    for k in range(1, KSUB):
        s = s + xb[:, :, k * LANES:(k + 1) * LANES]

    @pl.when(j == 0)
    def _():
        acc_ref[...] = s

    @pl.when(j > 0)
    def _():
        acc_ref[...] = acc_ref[...] + s

    @pl.when(j == NT - 1)
    def _():
        sums_ref[...] = jnp.sum(acc_ref[...], axis=-1)


def _tc_reduce(xs):
    return pl.pallas_call(
        _reduce_body,
        grid=(NT,),
        in_specs=[pl.BlockSpec((B_, C_, TCB), lambda j: (0, 0, j))],
        out_specs=pl.BlockSpec((B_, C_), lambda j: (0, 0)),
        out_shape=jax.ShapeDtypeStruct((B_, C_), jnp.float32),
        scratch_shapes=[pltpu.VMEM((B_, C_, LANES), jnp.float32)],
        compiler_params=pltpu.CompilerParams(
            dimension_semantics=("arbitrary",)),
    )(xs)



def _sc_gate(sums, gate_w, gate_b, gammas, betas):
    mesh = plsc.VectorSubcoreMesh(core_axis_name="c", subcore_axis_name="s")
    cp = pltpu.CompilerParams()
    if "needs_layout_passes" in pltpu.CompilerParams.__dataclass_fields__:
        cp = dataclasses.replace(cp, needs_layout_passes=False)

    @functools.partial(
        pl.kernel,
        compiler_params=cp,
        out_type=[
            jax.ShapeDtypeStruct((B_, NUM_EXPERTS), jnp.float32),
            jax.ShapeDtypeStruct((B_, NUM_EXPERTS), jnp.float32),
        ],
        mesh=mesh,
        scratch_types=[
            pltpu.VMEM((HID,), jnp.float32),
            pltpu.VMEM((HID,), jnp.float32),
            pltpu.VMEM((NUM_EXPERTS,), jnp.float32),
            pltpu.VMEM((NUM_EXPERTS, NUM_EXPERTS), jnp.float32),
            pltpu.VMEM((NUM_EXPERTS,), jnp.float32),
            pltpu.VMEM((NUM_EXPERTS,), jnp.float32),
            pltpu.VMEM((NUM_EXPERTS,), jnp.float32),
            pltpu.VMEM_SHARED((NUM_EXPERTS, NUM_EXPERTS), jnp.float32),
            pltpu.SemaphoreType.DMA,
        ],
    )
    def gate_kernel(sums_hbm, gw_hbm, gb_hbm, gam_hbm, bet_hbm,
                    gout_hbm, bout_hbm,
                    gwrow_v, sums_v, tmp_v, grid_v, gb_v, gam_v, bet_v,
                    shared, sem):
        cid = lax.axis_index("c")
        e = lax.axis_index("s")

        @pl.when(cid == 0)
        def _():
            pltpu.async_copy(gw_hbm.at[e], gwrow_v, sem).wait()
            for b in range(B_):
                pltpu.async_copy(sums_hbm.at[b], sums_v, sem).wait()

                def step(k, acc):
                    return acc + (gwrow_v[pl.ds(k * 16, 16)]
                                  * sums_v[pl.ds(k * 16, 16)])

                acc = lax.fori_loop(0, NCHUNK, step,
                                    jnp.zeros((NUM_EXPERTS,), jnp.float32))
                score = jnp.sum(acc)
                tmp_v[...] = jnp.full((NUM_EXPERTS,), score, jnp.float32)
                pltpu.sync_copy(tmp_v, shared.at[e])
                plsc.subcore_barrier()

                @pl.when(e == 0)
                def _():
                    pltpu.async_copy(gb_hbm, gb_v, sem).wait()
                    pltpu.async_copy(gam_hbm, gam_v, sem).wait()
                    pltpu.async_copy(bet_hbm, bet_v, sem).wait()
                    pltpu.sync_copy(shared, grid_v)
                    iota = lax.iota(jnp.int32, NUM_EXPERTS)
                    scores = jnp.zeros((NUM_EXPERTS,), jnp.float32)
                    for ee in range(NUM_EXPERTS):
                        scores = scores + jnp.where(
                            iota == ee, grid_v[ee], 0.0)
                    scores = scores * (1.0 / T_) + gb_v[...]
                    m = jnp.max(scores)
                    idx = jnp.min(
                        jnp.where(scores >= m, iota, NUM_EXPERTS))
                    sel = iota == idx
                    tmp_v[...] = jnp.where(sel, gam_v[...], 0.0)
                    pltpu.sync_copy(tmp_v, gout_hbm.at[b])
                    tmp_v[...] = jnp.where(sel, bet_v[...], 0.0)
                    pltpu.sync_copy(tmp_v, bout_hbm.at[b])

                plsc.subcore_barrier()

    return gate_kernel(sums, gate_w, gate_b, gammas, betas)



def _apply_body(x_ref, gsel_ref, bsel_ref, out_ref):
    g = jnp.sum(gsel_ref[...], axis=-1)[:, None, None]
    b = jnp.sum(bsel_ref[...], axis=-1)[:, None, None]
    out_ref[...] = x_ref[...] * g + b


def _tc_apply(xs, gsel, bsel):
    return pl.pallas_call(
        _apply_body,
        grid=(NT,),
        in_specs=[
            pl.BlockSpec((B_, C_, TCB), lambda j: (0, 0, j)),
            pl.BlockSpec((B_, NUM_EXPERTS), lambda j: (0, 0)),
            pl.BlockSpec((B_, NUM_EXPERTS), lambda j: (0, 0)),
        ],
        out_specs=pl.BlockSpec((B_, C_, TCB), lambda j: (0, 0, j)),
        out_shape=jax.ShapeDtypeStruct((B_, C_, T_), jnp.float32),
        compiler_params=pltpu.CompilerParams(
            dimension_semantics=("arbitrary",)),
    )(xs, gsel, bsel)


def kernel(x, gate_w, gate_b, gammas, betas):
    xs = x.reshape(B_, C_, T_)
    sums = _tc_reduce(xs)
    gsel, bsel = _sc_gate(sums, gate_w, gate_b, gammas, betas)
    out = _tc_apply(xs, gsel, bsel)
    return out.reshape(B_, C_, T_, 1)

# --- scband reference (transcript-rebuilt; emitter-appended) ---
"""Pipeline reference for scband-domain-norm-19361712571128 (READ-ONLY COPY).

The authoritative reference and input builder live on the scoring server;
editing this copy changes nothing except your own understanding.
"""

import jax, jax.numpy as jnp
import numpy as np

NUM_EXPERTS = 16
HIDDEN_DIM = 1024
B, C, T = 2, HIDDEN_DIM, 4096


def setup_inputs(seed: int = 0) -> dict:
    key = jax.random.key(seed)
    k_x, k_w, k_b, k_g, k_be = jax.random.split(key, 5)
    x = jax.random.normal(k_x, (B, C, T, 1), dtype=jnp.float32)
    # gating network: nn.Linear(hidden_dim, num_experts)
    bound = 1.0 / np.sqrt(HIDDEN_DIM)
    gate_w = jax.random.uniform(k_w, (NUM_EXPERTS, HIDDEN_DIM), dtype=jnp.float32, minval=-bound, maxval=bound)
    gate_b = jax.random.uniform(k_b, (NUM_EXPERTS,), dtype=jnp.float32, minval=-bound, maxval=bound)
    # per-expert scalar affine params (gamma init ~1, beta init ~0; perturbed for non-trivial math)
    gammas = 1.0 + 0.1 * jax.random.normal(k_g, (NUM_EXPERTS,), dtype=jnp.float32)
    betas = 0.1 * jax.random.normal(k_be, (NUM_EXPERTS,), dtype=jnp.float32)
    return {"x": x, "gate_w": gate_w, "gate_b": gate_b, "gammas": gammas, "betas": betas}


def reference(x, gate_w, gate_b, gammas, betas):
    # x: [B, C, T, 1]
    xs = jnp.squeeze(x, axis=-1)            # [B, C, T]
    xs = jnp.transpose(xs, (0, 2, 1))       # [B, T, C]
    gate_input = jnp.mean(xs, axis=1)       # [B, C]
    gating_scores = gate_input @ gate_w.T + gate_b  # [B, E]
    top1_idx = jnp.argmax(gating_scores, axis=-1)   # [B]
    # expert_outputs = stack([x*gamma_e + beta_e for e]) -> [B, E, T, C]
    expert_outputs = xs[:, None, :, :] * gammas[None, :, None, None] + betas[None, :, None, None]
    top1_output = expert_outputs[jnp.arange(xs.shape[0]), top1_idx]  # [B, T, C]
    top1_output = jnp.transpose(top1_output, (0, 2, 1))[..., None]   # [B, C, T, 1]
    return top1_output

if __name__ == "__main__":
    import jax
    _d = setup_inputs()
    print(jax.jit(kernel)(*tuple(_d.values())))

</pallas_src>

<mosaic_0001>
#map = affine_map<(d0, d1) -> (0, 0)>
#map1 = affine_map<(d0, d1) -> (0)>
module attributes {stable_mosaic.version = 14 : i64} {
  func.func @gate_kernel(%arg0: i32, %arg1: i32, %arg2: memref<2x1024xf32, #tpu.memory_space<hbm>>, %arg3: memref<16x1024xf32, #tpu.memory_space<hbm>>, %arg4: memref<16xf32, #tpu.memory_space<hbm>>, %arg5: memref<16xf32, #tpu.memory_space<hbm>>, %arg6: memref<16xf32, #tpu.memory_space<hbm>>, %arg7: memref<2x16xf32, #tpu.memory_space<hbm>>, %arg8: memref<2x16xf32, #tpu.memory_space<hbm>>, %arg9: memref<1024xf32, #tpu.memory_space<vmem>>, %arg10: memref<1024xf32, #tpu.memory_space<vmem>>, %arg11: memref<16xf32, #tpu.memory_space<vmem>>, %arg12: memref<16x16xf32, #tpu.memory_space<vmem>>, %arg13: memref<16xf32, #tpu.memory_space<vmem>>, %arg14: memref<16xf32, #tpu.memory_space<vmem>>, %arg15: memref<16xf32, #tpu.memory_space<vmem>>, %arg16: memref<16x16xf32, #tpu.memory_space<vmem_shared>>, %arg17: memref<!tpu.dma_semaphore, #tpu.memory_space<semaphore_mem>>) attributes {dimension_semantics = [#tpu.dimension_semantics<core_parallel>, #tpu.dimension_semantics<subcore_parallel>], iteration_bounds = array<i64: 2, 16>, scalar_prefetch = 0 : i64, scratch_operands = 9 : i64, tpu.core_type = #tpu.core_type<sc_vector_subcore>, window_params = [{transform_indices = #map}, {transform_indices = #map}, {transform_indices = #map1}, {transform_indices = #map1}, {transform_indices = #map1}, {transform_indices = #map}, {transform_indices = #map}]} {
    %eq3A = arith.constant 0 : i32
    %eq3A_0 = arith.cmpi eq, %arg0, %eq3A : i32
    %convert_element_type3A = arith.extui %eq3A_0 : i1 to i32
    %cond3A = arith.constant 0 : i32
    %cond3A_1 = arith.cmpi ne, %convert_element_type3A, %cond3A : i32
    scf.if %cond3A_1 {
      %dma_start3A = arith.constant 0 : i32
      %dma_start3A_2 = tpu.memref_slice %arg3[%arg1, %dma_start3A] : memref<16x1024xf32, #tpu.memory_space<hbm>> -> memref<1x1024xf32, #tpu.memory_space<hbm>>
      %dma_start3A_3 = tpu.memref_squeeze %dma_start3A_2 : memref<1x1024xf32, #tpu.memory_space<hbm>> -> memref<1024xf32, #tpu.memory_space<hbm>>
      %dma_start3A_4 = arith.constant 0 : i32
      %dma_start3A_5 = tpu.memref_slice %arg3[%arg1, %dma_start3A_4] : memref<16x1024xf32, #tpu.memory_space<hbm>> -> memref<1x1024xf32, #tpu.memory_space<hbm>>
      %dma_start3A_6 = tpu.memref_squeeze %dma_start3A_5 : memref<1x1024xf32, #tpu.memory_space<hbm>> -> memref<1024xf32, #tpu.memory_space<hbm>>
      tpu.enqueue_dma source(%dma_start3A_6 : memref<1024xf32, #tpu.memory_space<hbm>>) target(%arg9 : memref<1024xf32, #tpu.memory_space<vmem>>) target_semaphore(%arg17 : memref<!tpu.dma_semaphore, #tpu.memory_space<semaphore_mem>>)
      %dma_wait3A = arith.constant 0 : i32
      %dma_wait3A_7 = tpu.memref_slice %arg3[%arg1, %dma_wait3A] : memref<16x1024xf32, #tpu.memory_space<hbm>> -> memref<1x1024xf32, #tpu.memory_space<hbm>>
      %dma_wait3A_8 = tpu.memref_squeeze %dma_wait3A_7 : memref<1x1024xf32, #tpu.memory_space<hbm>> -> memref<1024xf32, #tpu.memory_space<hbm>>
      %dma_wait3A_9 = arith.constant 0 : i32
      %dma_wait3A_10 = tpu.memref_slice %arg3[%arg1, %dma_wait3A_9] : memref<16x1024xf32, #tpu.memory_space<hbm>> -> memref<1x1024xf32, #tpu.memory_space<hbm>>
      %dma_wait3A_11 = tpu.memref_squeeze %dma_wait3A_10 : memref<1x1024xf32, #tpu.memory_space<hbm>> -> memref<1024xf32, #tpu.memory_space<hbm>>
      tpu.wait_dma2 semaphore(%arg17 : memref<!tpu.dma_semaphore, #tpu.memory_space<semaphore_mem>>) src(%dma_wait3A_11 : memref<1024xf32, #tpu.memory_space<hbm>>) dst(%arg9 : memref<1024xf32, #tpu.memory_space<vmem>>)
      %dma_start3A_12 = arith.constant 0 : i32
      %dma_start3A_13 = arith.constant 0 : i32
      %dma_start3A_14 = tpu.memref_slice %arg2[%dma_start3A_12, %dma_start3A_13] : memref<2x1024xf32, #tpu.memory_space<hbm>> -> memref<1x1024xf32, #tpu.memory_space<hbm>>
      %dma_start3A_15 = tpu.memref_squeeze %dma_start3A_14 : memref<1x1024xf32, #tpu.memory_space<hbm>> -> memref<1024xf32, #tpu.memory_space<hbm>>
      %dma_start3A_16 = arith.constant 0 : i32
      %dma_start3A_17 = tpu.memref_slice %arg2[%dma_start3A_12, %dma_start3A_16] : memref<2x1024xf32, #tpu.memory_space<hbm>> -> memref<1x1024xf32, #tpu.memory_space<hbm>>
      %dma_start3A_18 = tpu.memref_squeeze %dma_start3A_17 : memref<1x1024xf32, #tpu.memory_space<hbm>> -> memref<1024xf32, #tpu.memory_space<hbm>>
      tpu.enqueue_dma source(%dma_start3A_18 : memref<1024xf32, #tpu.memory_space<hbm>>) target(%arg10 : memref<1024xf32, #tpu.memory_space<vmem>>) target_semaphore(%arg17 : memref<!tpu.dma_semaphore, #tpu.memory_space<semaphore_mem>>)
      %dma_wait3A_19 = arith.constant 0 : i32
      %dma_wait3A_20 = arith.constant 0 : i32
      %dma_wait3A_21 = tpu.memref_slice %arg2[%dma_wait3A_19, %dma_wait3A_20] : memref<2x1024xf32, #tpu.memory_space<hbm>> -> memref<1x1024xf32, #tpu.memory_space<hbm>>
      %dma_wait3A_22 = tpu.memref_squeeze %dma_wait3A_21 : memref<1x1024xf32, #tpu.memory_space<hbm>> -> memref<1024xf32, #tpu.memory_space<hbm>>
      %dma_wait3A_23 = arith.constant 0 : i32
      %dma_wait3A_24 = tpu.memref_slice %arg2[%dma_wait3A_19, %dma_wait3A_23] : memref<2x1024xf32, #tpu.memory_space<hbm>> -> memref<1x1024xf32, #tpu.memory_space<hbm>>
      %dma_wait3A_25 = tpu.memref_squeeze %dma_wait3A_24 : memref<1x1024xf32, #tpu.memory_space<hbm>> -> memref<1024xf32, #tpu.memory_space<hbm>>
      tpu.wait_dma2 semaphore(%arg17 : memref<!tpu.dma_semaphore, #tpu.memory_space<semaphore_mem>>) src(%dma_wait3A_25 : memref<1024xf32, #tpu.memory_space<hbm>>) dst(%arg10 : memref<1024xf32, #tpu.memory_space<vmem>>)
      %broadcast_in_dim3A = arith.constant 0.000000e+00 : f32
      %broadcast_in_dim3A_26 = vector.broadcast %broadcast_in_dim3A : f32 to vector<16xf32>
      %scan3A = arith.constant 0 : i32
      %scan3A_27 = arith.constant 64 : i32
      %scan3A_28 = arith.addi %scan3A, %scan3A_27 : i32
      %scan3A_29 = arith.constant 1 : i32
      %scan3A_30 = scf.for %scan3A_79 = %scan3A to %scan3A_28 step %scan3A_29 iter_args(%scan3A_80 = %broadcast_in_dim3A_26) -> (vector<16xf32>)  : i32 {
        %mul3A = arith.constant 16 : i32
        %mul3A_81 = arith.muli %scan3A_79, %mul3A : i32
        %get3A = arith.index_cast %mul3A_81 : i32 to index
        %get3A_82 = tpu.vector_load %arg9[%get3A] {strides = array<i32>} : memref<1024xf32, #tpu.memory_space<vmem>>, vector<16xf32>,
        %mul3A_83 = arith.constant 16 : i32
        %mul3A_84 = arith.muli %scan3A_79, %mul3A_83 : i32
        %get3A_85 = arith.index_cast %mul3A_84 : i32 to index
        %get3A_86 = tpu.vector_load %arg10[%get3A_85] {strides = array<i32>} : memref<1024xf32, #tpu.memory_space<vmem>>, vector<16xf32>,
        %mul3A_87 = arith.mulf %get3A_82, %get3A_86 : vector<16xf32>
        %add3A = arith.addf %scan3A_80, %mul3A_87 : vector<16xf32>
        scf.yield %add3A : vector<16xf32>
      }
      %scan3A_31 = arith.constant 64 : i32
      %reduce_sum3A = arith.constant true
      %reduce_sum3A_32 = vector.broadcast %reduce_sum3A : i1 to vector<16xi1>
      %reduce_sum3A_33 = tpu.scan <sum>, %scan3A_30 masked %reduce_sum3A_32 : vector<16xf32>, vector<16xi1> -> vector<16xf32>
      %reduce_sum3A_34 = vector.extract %reduce_sum3A_33[15] : f32 from vector<16xf32>
      %broadcast_in_dim3A_35 = vector.broadcast %reduce_sum3A_34 : f32 to vector<16xf32>
      %swap3A = arith.constant 0 : index
      %swap3A_36 = tpu.vector_load %arg11[%swap3A] {strides = array<i32>} : memref<16xf32, #tpu.memory_space<vmem>>, vector<16xf32>,
      tpu.vector_store %arg11[%swap3A], %broadcast_in_dim3A_35 {strides = array<i32>} : memref<16xf32, #tpu.memory_space<vmem>>, vector<16xf32>,
      "tpu.region"() ({
        %run_scoped3A = tpu.sem_alloc : memref<!tpu.dma_semaphore, #tpu.memory_space<semaphore_mem>>
        %dma_start3A_79 = arith.constant 0 : i32
        %dma_start3A_80 = tpu.memref_slice %arg16[%arg1, %dma_start3A_79] : memref<16x16xf32, #tpu.memory_space<vmem_shared>> -> memref<1x16xf32, #tpu.memory_space<vmem_shared>>
        %dma_start3A_81 = tpu.memref_squeeze %dma_start3A_80 : memref<1x16xf32, #tpu.memory_space<vmem_shared>> -> memref<16xf32, #tpu.memory_space<vmem_shared>>
        %dma_start3A_82 = arith.constant 0 : i32
        %dma_start3A_83 = tpu.memref_slice %arg16[%arg1, %dma_start3A_82] : memref<16x16xf32, #tpu.memory_space<vmem_shared>> -> memref<1x16xf32, #tpu.memory_space<vmem_shared>>
        %dma_start3A_84 = tpu.memref_squeeze %dma_start3A_83 : memref<1x16xf32, #tpu.memory_space<vmem_shared>> -> memref<16xf32, #tpu.memory_space<vmem_shared>>
        tpu.enqueue_dma source(%arg11 : memref<16xf32, #tpu.memory_space<vmem>>) target(%dma_start3A_84 : memref<16xf32, #tpu.memory_space<vmem_shared>>) target_semaphore(%run_scoped3A : memref<!tpu.dma_semaphore, #tpu.memory_space<semaphore_mem>>)
        %dma_wait3A_85 = arith.constant 0 : i32
        %dma_wait3A_86 = tpu.memref_slice %arg16[%arg1, %dma_wait3A_85] : memref<16x16xf32, #tpu.memory_space<vmem_shared>> -> memref<1x16xf32, #tpu.memory_space<vmem_shared>>
        %dma_wait3A_87 = tpu.memref_squeeze %dma_wait3A_86 : memref<1x16xf32, #tpu.memory_space<vmem_shared>> -> memref<16xf32, #tpu.memory_space<vmem_shared>>
        %dma_wait3A_88 = arith.constant 0 : i32
        %dma_wait3A_89 = tpu.memref_slice %arg16[%arg1, %dma_wait3A_88] : memref<16x16xf32, #tpu.memory_space<vmem_shared>> -> memref<1x16xf32, #tpu.memory_space<vmem_shared>>
        %dma_wait3A_90 = tpu.memref_squeeze %dma_wait3A_89 : memref<1x16xf32, #tpu.memory_space<vmem_shared>> -> memref<16xf32, #tpu.memory_space<vmem_shared>>
        tpu.wait_dma2 semaphore(%run_scoped3A : memref<!tpu.dma_semaphore, #tpu.memory_space<semaphore_mem>>) src(%arg11 : memref<16xf32, #tpu.memory_space<vmem>>) dst(%dma_wait3A_90 : memref<16xf32, #tpu.memory_space<vmem_shared>>)
        tpu.yield
      }) : () -> ()
      %barrier3A = arith.constant 0 : index
      tpu.barrier barrier_id(%barrier3A)
      %eq3A_37 = arith.constant 0 : i32
      %eq3A_38 = arith.cmpi eq, %arg1, %eq3A_37 : i32
      %convert_element_type3A_39 = arith.extui %eq3A_38 : i1 to i32
      %cond3A_40 = arith.constant 0 : i32
      %cond3A_41 = arith.cmpi ne, %convert_element_type3A_39, %cond3A_40 : i32
      scf.if %cond3A_41 {
        tpu.enqueue_dma source(%arg4 : memref<16xf32, #tpu.memory_space<hbm>>) target(%arg13 : memref<16xf32, #tpu.memory_space<vmem>>) target_semaphore(%arg17 : memref<!tpu.dma_semaphore, #tpu.memory_space<semaphore_mem>>)
        tpu.wait_dma2 semaphore(%arg17 : memref<!tpu.dma_semaphore, #tpu.memory_space<semaphore_mem>>) src(%arg4 : memref<16xf32, #tpu.memory_space<hbm>>) dst(%arg13 : memref<16xf32, #tpu.memory_space<vmem>>)
        tpu.enqueue_dma source(%arg5 : memref<16xf32, #tpu.memory_space<hbm>>) target(%arg14 : memref<16xf32, #tpu.memory_space<vmem>>) target_semaphore(%arg17 : memref<!tpu.dma_semaphore, #tpu.memory_space<semaphore_mem>>)
        tpu.wait_dma2 semaphore(%arg17 : memref<!tpu.dma_semaphore, #tpu.memory_space<semaphore_mem>>) src(%arg5 : memref<16xf32, #tpu.memory_space<hbm>>) dst(%arg14 : memref<16xf32, #tpu.memory_space<vmem>>)
        tpu.enqueue_dma source(%arg6 : memref<16xf32, #tpu.memory_space<hbm>>) target(%arg15 : memref<16xf32, #tpu.memory_space<vmem>>) target_semaphore(%arg17 : memref<!tpu.dma_semaphore, #tpu.memory_space<semaphore_mem>>)
        tpu.wait_dma2 semaphore(%arg17 : memref<!tpu.dma_semaphore, #tpu.memory_space<semaphore_mem>>) src(%arg6 : memref<16xf32, #tpu.memory_space<hbm>>) dst(%arg15 : memref<16xf32, #tpu.memory_space<vmem>>)
        "tpu.region"() ({
          %run_scoped3A_289 = tpu.sem_alloc : memref<!tpu.dma_semaphore, #tpu.memory_space<semaphore_mem>>
          tpu.enqueue_dma source(%arg16 : memref<16x16xf32, #tpu.memory_space<vmem_shared>>) target(%arg12 : memref<16x16xf32, #tpu.memory_space<vmem>>) target_semaphore(%run_scoped3A_289 : memref<!tpu.dma_semaphore, #tpu.memory_space<semaphore_mem>>)
          tpu.wait_dma2 semaphore(%run_scoped3A_289 : memref<!tpu.dma_semaphore, #tpu.memory_space<semaphore_mem>>) src(%arg16 : memref<16x16xf32, #tpu.memory_space<vmem_shared>>) dst(%arg12 : memref<16x16xf32, #tpu.memory_space<vmem>>)
          tpu.yield
        }) : () -> ()
        %iota3A = tpu.iota {dimensions = array<i32: 0>} : vector<16xi32>
        %broadcast_in_dim3A_79 = arith.constant 0.000000e+00 : f32
        %broadcast_in_dim3A_80 = vector.broadcast %broadcast_in_dim3A_79 : f32 to vector<16xf32>
        %eq3A_81 = arith.constant 0 : i32
        %eq3A_82 = vector.broadcast %eq3A_81 : i32 to vector<16xi32>
        %eq3A_83 = arith.cmpi eq, %iota3A, %eq3A_82 : vector<16xi32>
        %get3A = arith.constant 0 : i32
        %get3A_84 = arith.index_cast %get3A : i32 to index
        %get3A_85 = arith.constant 0 : index
        %get3A_86 = tpu.vector_load %arg12[%get3A_84, %get3A_85] {strides = array<i32>} : memref<16x16xf32, #tpu.memory_space<vmem>>, vector<16xf32>,
        %jit3A = arith.constant 0.000000e+00 : f32
        %broadcast_in_dim3A_87 = vector.broadcast %jit3A : f32 to vector<16xf32>
        %select_n3A = arith.select %eq3A_83, %get3A_86, %broadcast_in_dim3A_87 : vector<16xi1>, vector<16xf32>
        %add3A = arith.addf %broadcast_in_dim3A_80, %select_n3A : vector<16xf32>
        %eq3A_88 = arith.constant 1 : i32
        %eq3A_89 = vector.broadcast %eq3A_88 : i32 to vector<16xi32>
        %eq3A_90 = arith.cmpi eq, %iota3A, %eq3A_89 : vector<16xi32>
        %get3A_91 = arith.constant 1 : i32
        %get3A_92 = arith.index_cast %get3A_91 : i32 to index
        %get3A_93 = arith.constant 0 : index
        %get3A_94 = tpu.vector_load %arg12[%get3A_92, %get3A_93] {strides = array<i32>} : memref<16x16xf32, #tpu.memory_space<vmem>>, vector<16xf32>,
        %jit3A_95 = arith.constant 0.000000e+00 : f32
        %broadcast_in_dim3A_96 = vector.broadcast %jit3A_95 : f32 to vector<16xf32>
        %select_n3A_97 = arith.select %eq3A_90, %get3A_94, %broadcast_in_dim3A_96 : vector<16xi1>, vector<16xf32>
        %add3A_98 = arith.addf %add3A, %select_n3A_97 : vector<16xf32>
        %eq3A_99 = arith.constant 2 : i32
        %eq3A_100 = vector.broadcast %eq3A_99 : i32 to vector<16xi32>
        %eq3A_101 = arith.cmpi eq, %iota3A, %eq3A_100 : vector<16xi32>
        %get3A_102 = arith.constant 2 : i32
        %get3A_103 = arith.index_cast %get3A_102 : i32 to index
        %get3A_104 = arith.constant 0 : index
        %get3A_105 = tpu.vector_load %arg12[%get3A_103, %get3A_104] {strides = array<i32>} : memref<16x16xf32, #tpu.memory_space<vmem>>, vector<16xf32>,
        %jit3A_106 = arith.constant 0.000000e+00 : f32
        %broadcast_in_dim3A_107 = vector.broadcast %jit3A_106 : f32 to vector<16xf32>
        %select_n3A_108 = arith.select %eq3A_101, %get3A_105, %broadcast_in_dim3A_107 : vector<16xi1>, vector<16xf32>
        %add3A_109 = arith.addf %add3A_98, %select_n3A_108 : vector<16xf32>
        %eq3A_110 = arith.constant 3 : i32
        %eq3A_111 = vector.broadcast %eq3A_110 : i32 to vector<16xi32>
        %eq3A_112 = arith.cmpi eq, %iota3A, %eq3A_111 : vector<16xi32>
        %get3A_113 = arith.constant 3 : i32
        %get3A_114 = arith.index_cast %get3A_113 : i32 to index
        %get3A_115 = arith.constant 0 : index
        %get3A_116 = tpu.vector_load %arg12[%get3A_114, %get3A_115] {strides = array<i32>} : memref<16x16xf32, #tpu.memory_space<vmem>>, vector<16xf32>,
        %jit3A_117 = arith.constant 0.000000e+00 : f32
        %broadcast_in_dim3A_118 = vector.broadcast %jit3A_117 : f32 to vector<16xf32>
        %select_n3A_119 = arith.select %eq3A_112, %get3A_116, %broadcast_in_dim3A_118 : vector<16xi1>, vector<16xf32>
        %add3A_120 = arith.addf %add3A_109, %select_n3A_119 : vector<16xf32>
        %eq3A_121 = arith.constant 4 : i32
        %eq3A_122 = vector.broadcast %eq3A_121 : i32 to vector<16xi32>
        %eq3A_123 = arith.cmpi eq, %iota3A, %eq3A_122 : vector<16xi32>
        %get3A_124 = arith.constant 4 : i32
        %get3A_125 = arith.index_cast %get3A_124 : i32 to index
        %get3A_126 = arith.constant 0 : index
        %get3A_127 = tpu.vector_load %arg12[%get3A_125, %get3A_126] {strides = array<i32>} : memref<16x16xf32, #tpu.memory_space<vmem>>, vector<16xf32>,
        %jit3A_128 = arith.constant 0.000000e+00 : f32
        %broadcast_in_dim3A_129 = vector.broadcast %jit3A_128 : f32 to vector<16xf32>
        %select_n3A_130 = arith.select %eq3A_123, %get3A_127, %broadcast_in_dim3A_129 : vector<16xi1>, vector<16xf32>
        %add3A_131 = arith.addf %add3A_120, %select_n3A_130 : vector<16xf32>
        %eq3A_132 = arith.constant 5 : i32
        %eq3A_133 = vector.broadcast %eq3A_132 : i32 to vector<16xi32>
        %eq3A_134 = arith.cmpi eq, %iota3A, %eq3A_133 : vector<16xi32>
        %get3A_135 = arith.constant 5 : i32
        %get3A_136 = arith.index_cast %get3A_135 : i32 to index
        %get3A_137 = arith.constant 0 : index
        %get3A_138 = tpu.vector_load %arg12[%get3A_136, %get3A_137] {strides = array<i32>} : memref<16x16xf32, #tpu.memory_space<vmem>>, vector<16xf32>,
        %jit3A_139 = arith.constant 0.000000e+00 : f32
        %broadcast_in_dim3A_140 = vector.broadcast %jit3A_139 : f32 to vector<16xf32>
        %select_n3A_141 = arith.select %eq3A_134, %get3A_138, %broadcast_in_dim3A_140 : vector<16xi1>, vector<16xf32>
        %add3A_142 = arith.addf %add3A_131, %select_n3A_141 : vector<16xf32>
        %eq3A_143 = arith.constant 6 : i32
        %eq3A_144 = vector.broadcast %eq3A_143 : i32 to vector<16xi32>
        %eq3A_145 = arith.cmpi eq, %iota3A, %eq3A_144 : vector<16xi32>
        %get3A_146 = arith.constant 6 : i32
        %get3A_147 = arith.index_cast %get3A_146 : i32 to index
        %get3A_148 = arith.constant 0 : index
        %get3A_149 = tpu.vector_load %arg12[%get3A_147, %get3A_148] {strides = array<i32>} : memref<16x16xf32, #tpu.memory_space<vmem>>, vector<16xf32>,
        %jit3A_150 = arith.constant 0.000000e+00 : f32
        %broadcast_in_dim3A_151 = vector.broadcast %jit3A_150 : f32 to vector<16xf32>
        %select_n3A_152 = arith.select %eq3A_145, %get3A_149, %broadcast_in_dim3A_151 : vector<16xi1>, vector<16xf32>
        %add3A_153 = arith.addf %add3A_142, %select_n3A_152 : vector<16xf32>
        %eq3A_154 = arith.constant 7 : i32
        %eq3A_155 = vector.broadcast %eq3A_154 : i32 to vector<16xi32>
        %eq3A_156 = arith.cmpi eq, %iota3A, %eq3A_155 : vector<16xi32>
        %get3A_157 = arith.constant 7 : i32
        %get3A_158 = arith.index_cast %get3A_157 : i32 to index
        %get3A_159 = arith.constant 0 : index
        %get3A_160 = tpu.vector_load %arg12[%get3A_158, %get3A_159] {strides = array<i32>} : memref<16x16xf32, #tpu.memory_space<vmem>>, vector<16xf32>,
        %jit3A_161 = arith.constant 0.000000e+00 : f32
        %broadcast_in_dim3A_162 = vector.broadcast %jit3A_161 : f32 to vector<16xf32>
        %select_n3A_163 = arith.select %eq3A_156, %get3A_160, %broadcast_in_dim3A_162 : vector<16xi1>, vector<16xf32>
        %add3A_164 = arith.addf %add3A_153, %select_n3A_163 : vector<16xf32>
        %eq3A_165 = arith.constant 8 : i32
        %eq3A_166 = vector.broadcast %eq3A_165 : i32 to vector<16xi32>
        %eq3A_167 = arith.cmpi eq, %iota3A, %eq3A_166 : vector<16xi32>
        %get3A_168 = arith.constant 8 : i32
        %get3A_169 = arith.index_cast %get3A_168 : i32 to index
        %get3A_170 = arith.constant 0 : index
        %get3A_171 = tpu.vector_load %arg12[%get3A_169, %get3A_170] {strides = array<i32>} : memref<16x16xf32, #tpu.memory_space<vmem>>, vector<16xf32>,
        %jit3A_172 = arith.constant 0.000000e+00 : f32
        %broadcast_in_dim3A_173 = vector.broadcast %jit3A_172 : f32 to vector<16xf32>
        %select_n3A_174 = arith.select %eq3A_167, %get3A_171, %broadcast_in_dim3A_173 : vector<16xi1>, vector<16xf32>
        %add3A_175 = arith.addf %add3A_164, %select_n3A_174 : vector<16xf32>
        %eq3A_176 = arith.constant 9 : i32
        %eq3A_177 = vector.broadcast %eq3A_176 : i32 to vector<16xi32>
        %eq3A_178 = arith.cmpi eq, %iota3A, %eq3A_177 : vector<16xi32>
        %get3A_179 = arith.constant 9 : i32
        %get3A_180 = arith.index_cast %get3A_179 : i32 to index
        %get3A_181 = arith.constant 0 : index
        %get3A_182 = tpu.vector_load %arg12[%get3A_180, %get3A_181] {strides = array<i32>} : memref<16x16xf32, #tpu.memory_space<vmem>>, vector<16xf32>,
        %jit3A_183 = arith.constant 0.000000e+00 : f32
        %broadcast_in_dim3A_184 = vector.broadcast %jit3A_183 : f32 to vector<16xf32>
        %select_n3A_185 = arith.select %eq3A_178, %get3A_182, %broadcast_in_dim3A_184 : vector<16xi1>, vector<16xf32>
        %add3A_186 = arith.addf %add3A_175, %select_n3A_185 : vector<16xf32>
        %eq3A_187 = arith.constant 10 : i32
        %eq3A_188 = vector.broadcast %eq3A_187 : i32 to vector<16xi32>
        %eq3A_189 = arith.cmpi eq, %iota3A, %eq3A_188 : vector<16xi32>
        %get3A_190 = arith.constant 10 : i32
        %get3A_191 = arith.index_cast %get3A_190 : i32 to index
        %get3A_192 = arith.constant 0 : index
        %get3A_193 = tpu.vector_load %arg12[%get3A_191, %get3A_192] {strides = array<i32>} : memref<16x16xf32, #tpu.memory_space<vmem>>, vector<16xf32>,
        %jit3A_194 = arith.constant 0.000000e+00 : f32
        %broadcast_in_dim3A_195 = vector.broadcast %jit3A_194 : f32 to vector<16xf32>
        %select_n3A_196 = arith.select %eq3A_189, %get3A_193, %broadcast_in_dim3A_195 : vector<16xi1>, vector<16xf32>
        %add3A_197 = arith.addf %add3A_186, %select_n3A_196 : vector<16xf32>
        %eq3A_198 = arith.constant 11 : i32
        %eq3A_199 = vector.broadcast %eq3A_198 : i32 to vector<16xi32>
        %eq3A_200 = arith.cmpi eq, %iota3A, %eq3A_199 : vector<16xi32>
        %get3A_201 = arith.constant 11 : i32
        %get3A_202 = arith.index_cast %get3A_201 : i32 to index
        %get3A_203 = arith.constant 0 : index
        %get3A_204 = tpu.vector_load %arg12[%get3A_202, %get3A_203] {strides = array<i32>} : memref<16x16xf32, #tpu.memory_space<vmem>>, vector<16xf32>,
        %jit3A_205 = arith.constant 0.000000e+00 : f32
        %broadcast_in_dim3A_206 = vector.broadcast %jit3A_205 : f32 to vector<16xf32>
        %select_n3A_207 = arith.select %eq3A_200, %get3A_204, %broadcast_in_dim3A_206 : vector<16xi1>, vector<16xf32>
        %add3A_208 = arith.addf %add3A_197, %select_n3A_207 : vector<16xf32>
        %eq3A_209 = arith.constant 12 : i32
        %eq3A_210 = vector.broadcast %eq3A_209 : i32 to vector<16xi32>
        %eq3A_211 = arith.cmpi eq, %iota3A, %eq3A_210 : vector<16xi32>
        %get3A_212 = arith.constant 12 : i32
        %get3A_213 = arith.index_cast %get3A_212 : i32 to index
        %get3A_214 = arith.constant 0 : index
        %get3A_215 = tpu.vector_load %arg12[%get3A_213, %get3A_214] {strides = array<i32>} : memref<16x16xf32, #tpu.memory_space<vmem>>, vector<16xf32>,
        %jit3A_216 = arith.constant 0.000000e+00 : f32
        %broadcast_in_dim3A_217 = vector.broadcast %jit3A_216 : f32 to vector<16xf32>
        %select_n3A_218 = arith.select %eq3A_211, %get3A_215, %broadcast_in_dim3A_217 : vector<16xi1>, vector<16xf32>
        %add3A_219 = arith.addf %add3A_208, %select_n3A_218 : vector<16xf32>
        %eq3A_220 = arith.constant 13 : i32
        %eq3A_221 = vector.broadcast %eq3A_220 : i32 to vector<16xi32>
        %eq3A_222 = arith.cmpi eq, %iota3A, %eq3A_221 : vector<16xi32>
        %get3A_223 = arith.constant 13 : i32
        %get3A_224 = arith.index_cast %get3A_223 : i32 to index
        %get3A_225 = arith.constant 0 : index
        %get3A_226 = tpu.vector_load %arg12[%get3A_224, %get3A_225] {strides = array<i32>} : memref<16x16xf32, #tpu.memory_space<vmem>>, vector<16xf32>,
        %jit3A_227 = arith.constant 0.000000e+00 : f32
        %broadcast_in_dim3A_228 = vector.broadcast %jit3A_227 : f32 to vector<16xf32>
        %select_n3A_229 = arith.select %eq3A_222, %get3A_226, %broadcast_in_dim3A_228 : vector<16xi1>, vector<16xf32>
        %add3A_230 = arith.addf %add3A_219, %select_n3A_229 : vector<16xf32>
        %eq3A_231 = arith.constant 14 : i32
        %eq3A_232 = vector.broadcast %eq3A_231 : i32 to vector<16xi32>
        %eq3A_233 = arith.cmpi eq, %iota3A, %eq3A_232 : vector<16xi32>
        %get3A_234 = arith.constant 14 : i32
        %get3A_235 = arith.index_cast %get3A_234 : i32 to index
        %get3A_236 = arith.constant 0 : index
        %get3A_237 = tpu.vector_load %arg12[%get3A_235, %get3A_236] {strides = array<i32>} : memref<16x16xf32, #tpu.memory_space<vmem>>, vector<16xf32>,
        %jit3A_238 = arith.constant 0.000000e+00 : f32
        %broadcast_in_dim3A_239 = vector.broadcast %jit3A_238 : f32 to vector<16xf32>
        %select_n3A_240 = arith.select %eq3A_233, %get3A_237, %broadcast_in_dim3A_239 : vector<16xi1>, vector<16xf32>
        %add3A_241 = arith.addf %add3A_230, %select_n3A_240 : vector<16xf32>
        %eq3A_242 = arith.constant 15 : i32
        %eq3A_243 = vector.broadcast %eq3A_242 : i32 to vector<16xi32>
        %eq3A_244 = arith.cmpi eq, %iota3A, %eq3A_243 : vector<16xi32>
        %get3A_245 = arith.constant 15 : i32
        %get3A_246 = arith.index_cast %get3A_245 : i32 to index
        %get3A_247 = arith.constant 0 : index
        %get3A_248 = tpu.vector_load %arg12[%get3A_246, %get3A_247] {strides = array<i32>} : memref<16x16xf32, #tpu.memory_space<vmem>>, vector<16xf32>,
        %jit3A_249 = arith.constant 0.000000e+00 : f32
        %broadcast_in_dim3A_250 = vector.broadcast %jit3A_249 : f32 to vector<16xf32>
        %select_n3A_251 = arith.select %eq3A_244, %get3A_248, %broadcast_in_dim3A_250 : vector<16xi1>, vector<16xf32>
        %add3A_252 = arith.addf %add3A_241, %select_n3A_251 : vector<16xf32>
        %mul3A = arith.constant 2.44140625E-4 : f32
        %mul3A_253 = vector.broadcast %mul3A : f32 to vector<16xf32>
        %mul3A_254 = arith.mulf %add3A_252, %mul3A_253 : vector<16xf32>
        %get3A_255 = arith.constant 0 : index
        %get3A_256 = tpu.vector_load %arg13[%get3A_255] {strides = array<i32>} : memref<16xf32, #tpu.memory_space<vmem>>, vector<16xf32>,
        %add3A_257 = arith.addf %mul3A_254, %get3A_256 : vector<16xf32>
        %reduce_max3A = arith.constant true
        %reduce_max3A_258 = vector.broadcast %reduce_max3A : i1 to vector<16xi1>
        %reduce_max3A_259 = tpu.scan <max>, %add3A_257 masked %reduce_max3A_258 : vector<16xf32>, vector<16xi1> -> vector<16xf32>
        %reduce_max3A_260 = vector.extract %reduce_max3A_259[15] : f32 from vector<16xf32>
        %ge3A = vector.broadcast %reduce_max3A_260 : f32 to vector<16xf32>
        %ge3A_261 = arith.cmpf oge, %add3A_257, %ge3A : vector<16xf32>
        %jit3A_262 = arith.constant 16 : i32
        %broadcast_in_dim3A_263 = vector.broadcast %jit3A_262 : i32 to vector<16xi32>
        %select_n3A_264 = arith.select %ge3A_261, %iota3A, %broadcast_in_dim3A_263 : vector<16xi1>, vector<16xi32>
        %reduce_min3A = arith.constant true
        %reduce_min3A_265 = vector.broadcast %reduce_min3A : i1 to vector<16xi1>
        %reduce_min3A_266 = arith.constant -2147483648 : i32
        %reduce_min3A_267 = vector.broadcast %reduce_min3A_266 : i32 to vector<16xi32>
        %reduce_min3A_268 = arith.xori %select_n3A_264, %reduce_min3A_267 : vector<16xi32>
        %reduce_min3A_269 = tpu.scan <min>, %reduce_min3A_268 masked %reduce_min3A_265 : vector<16xi32>, vector<16xi1> -> vector<16xi32>
        %reduce_min3A_270 = arith.xori %reduce_min3A_269, %reduce_min3A_267 : vector<16xi32>
        %reduce_min3A_271 = vector.extract %reduce_min3A_270[15] : i32 from vector<16xi32>
        %eq3A_272 = vector.broadcast %reduce_min3A_271 : i32 to vector<16xi32>
        %eq3A_273 = arith.cmpi eq, %iota3A, %eq3A_272 : vector<16xi32>
        %get3A_274 = arith.constant 0 : index
        %get3A_275 = tpu.vector_load %arg14[%get3A_274] {strides = array<i32>} : memref<16xf32, #tpu.memory_space<vmem>>, vector<16xf32>,
        %jit3A_276 = arith.constant 0.000000e+00 : f32
        %broadcast_in_dim3A_277 = vector.broadcast %jit3A_276 : f32 to vector<16xf32>
        %select_n3A_278 = arith.select %eq3A_273, %get3A_275, %broadcast_in_dim3A_277 : vector<16xi1>, vector<16xf32>
        %swap3A_279 = arith.constant 0 : index
        %swap3A_280 = tpu.vector_load %arg11[%swap3A_279] {strides = array<i32>} : memref<16xf32, #tpu.memory_space<vmem>>, vector<16xf32>,
        tpu.vector_store %arg11[%swap3A_279], %select_n3A_278 {strides = array<i32>} : memref<16xf32, #tpu.memory_space<vmem>>, vector<16xf32>,
        %run_scoped3A = arith.constant 0 : i32
        "tpu.region"() ({
          %run_scoped3A_289 = tpu.sem_alloc : memref<!tpu.dma_semaphore, #tpu.memory_space<semaphore_mem>>
          %dma_start3A_290 = arith.constant 0 : i32
          %dma_start3A_291 = tpu.memref_slice %arg7[%run_scoped3A, %dma_start3A_290] : memref<2x16xf32, #tpu.memory_space<hbm>> -> memref<1x16xf32, #tpu.memory_space<hbm>>
          %dma_start3A_292 = tpu.memref_squeeze %dma_start3A_291 : memref<1x16xf32, #tpu.memory_space<hbm>> -> memref<16xf32, #tpu.memory_space<hbm>>
          %dma_start3A_293 = arith.constant 0 : i32
          %dma_start3A_294 = tpu.memref_slice %arg7[%run_scoped3A, %dma_start3A_293] : memref<2x16xf32, #tpu.memory_space<hbm>> -> memref<1x16xf32, #tpu.memory_space<hbm>>
          %dma_start3A_295 = tpu.memref_squeeze %dma_start3A_294 : memref<1x16xf32, #tpu.memory_space<hbm>> -> memref<16xf32, #tpu.memory_space<hbm>>
          tpu.enqueue_dma source(%arg11 : memref<16xf32, #tpu.memory_space<vmem>>) target(%dma_start3A_295 : memref<16xf32, #tpu.memory_space<hbm>>) target_semaphore(%run_scoped3A_289 : memref<!tpu.dma_semaphore, #tpu.memory_space<semaphore_mem>>)
          %dma_wait3A_296 = arith.constant 0 : i32
          %dma_wait3A_297 = tpu.memref_slice %arg7[%run_scoped3A, %dma_wait3A_296] : memref<2x16xf32, #tpu.memory_space<hbm>> -> memref<1x16xf32, #tpu.memory_space<hbm>>
          %dma_wait3A_298 = tpu.memref_squeeze %dma_wait3A_297 : memref<1x16xf32, #tpu.memory_space<hbm>> -> memref<16xf32, #tpu.memory_space<hbm>>
          %dma_wait3A_299 = arith.constant 0 : i32
          %dma_wait3A_300 = tpu.memref_slice %arg7[%run_scoped3A, %dma_wait3A_299] : memref<2x16xf32, #tpu.memory_space<hbm>> -> memref<1x16xf32, #tpu.memory_space<hbm>>
          %dma_wait3A_301 = tpu.memref_squeeze %dma_wait3A_300 : memref<1x16xf32, #tpu.memory_space<hbm>> -> memref<16xf32, #tpu.memory_space<hbm>>
          tpu.wait_dma2 semaphore(%run_scoped3A_289 : memref<!tpu.dma_semaphore, #tpu.memory_space<semaphore_mem>>) src(%arg11 : memref<16xf32, #tpu.memory_space<vmem>>) dst(%dma_wait3A_301 : memref<16xf32, #tpu.memory_space<hbm>>)
          tpu.yield
        }) : () -> ()
        %get3A_281 = arith.constant 0 : index
        %get3A_282 = tpu.vector_load %arg15[%get3A_281] {strides = array<i32>} : memref<16xf32, #tpu.memory_space<vmem>>, vector<16xf32>,
        %jit3A_283 = arith.constant 0.000000e+00 : f32
        %broadcast_in_dim3A_284 = vector.broadcast %jit3A_283 : f32 to vector<16xf32>
        %select_n3A_285 = arith.select %eq3A_273, %get3A_282, %broadcast_in_dim3A_284 : vector<16xi1>, vector<16xf32>
        %swap3A_286 = arith.constant 0 : index
        %swap3A_287 = tpu.vector_load %arg11[%swap3A_286] {strides = array<i32>} : memref<16xf32, #tpu.memory_space<vmem>>, vector<16xf32>,
        tpu.vector_store %arg11[%swap3A_286], %select_n3A_285 {strides = array<i32>} : memref<16xf32, #tpu.memory_space<vmem>>, vector<16xf32>,
        %run_scoped3A_288 = arith.constant 0 : i32
        "tpu.region"() ({
          %run_scoped3A_289 = tpu.sem_alloc : memref<!tpu.dma_semaphore, #tpu.memory_space<semaphore_mem>>
          %dma_start3A_290 = arith.constant 0 : i32
          %dma_start3A_291 = tpu.memref_slice %arg8[%run_scoped3A_288, %dma_start3A_290] : memref<2x16xf32, #tpu.memory_space<hbm>> -> memref<1x16xf32, #tpu.memory_space<hbm>>
          %dma_start3A_292 = tpu.memref_squeeze %dma_start3A_291 : memref<1x16xf32, #tpu.memory_space<hbm>> -> memref<16xf32, #tpu.memory_space<hbm>>
          %dma_start3A_293 = arith.constant 0 : i32
          %dma_start3A_294 = tpu.memref_slice %arg8[%run_scoped3A_288, %dma_start3A_293] : memref<2x16xf32, #tpu.memory_space<hbm>> -> memref<1x16xf32, #tpu.memory_space<hbm>>
          %dma_start3A_295 = tpu.memref_squeeze %dma_start3A_294 : memref<1x16xf32, #tpu.memory_space<hbm>> -> memref<16xf32, #tpu.memory_space<hbm>>
          tpu.enqueue_dma source(%arg11 : memref<16xf32, #tpu.memory_space<vmem>>) target(%dma_start3A_295 : memref<16xf32, #tpu.memory_space<hbm>>) target_semaphore(%run_scoped3A_289 : memref<!tpu.dma_semaphore, #tpu.memory_space<semaphore_mem>>)
          %dma_wait3A_296 = arith.constant 0 : i32
          %dma_wait3A_297 = tpu.memref_slice %arg8[%run_scoped3A_288, %dma_wait3A_296] : memref<2x16xf32, #tpu.memory_space<hbm>> -> memref<1x16xf32, #tpu.memory_space<hbm>>
          %dma_wait3A_298 = tpu.memref_squeeze %dma_wait3A_297 : memref<1x16xf32, #tpu.memory_space<hbm>> -> memref<16xf32, #tpu.memory_space<hbm>>
          %dma_wait3A_299 = arith.constant 0 : i32
          %dma_wait3A_300 = tpu.memref_slice %arg8[%run_scoped3A_288, %dma_wait3A_299] : memref<2x16xf32, #tpu.memory_space<hbm>> -> memref<1x16xf32, #tpu.memory_space<hbm>>
          %dma_wait3A_301 = tpu.memref_squeeze %dma_wait3A_300 : memref<1x16xf32, #tpu.memory_space<hbm>> -> memref<16xf32, #tpu.memory_space<hbm>>
          tpu.wait_dma2 semaphore(%run_scoped3A_289 : memref<!tpu.dma_semaphore, #tpu.memory_space<semaphore_mem>>) src(%arg11 : memref<16xf32, #tpu.memory_space<vmem>>) dst(%dma_wait3A_301 : memref<16xf32, #tpu.memory_space<hbm>>)
          tpu.yield
        }) : () -> ()
      } else {
      }
      %barrier3A_42 = arith.constant 0 : index
      tpu.barrier barrier_id(%barrier3A_42)
      %dma_start3A_43 = arith.constant 1 : i32
      %dma_start3A_44 = arith.constant 0 : i32
      %dma_start3A_45 = tpu.memref_slice %arg2[%dma_start3A_43, %dma_start3A_44] : memref<2x1024xf32, #tpu.memory_space<hbm>> -> memref<1x1024xf32, #tpu.memory_space<hbm>>
      %dma_start3A_46 = tpu.memref_squeeze %dma_start3A_45 : memref<1x1024xf32, #tpu.memory_space<hbm>> -> memref<1024xf32, #tpu.memory_space<hbm>>
      %dma_start3A_47 = arith.constant 0 : i32
      %dma_start3A_48 = tpu.memref_slice %arg2[%dma_start3A_43, %dma_start3A_47] : memref<2x1024xf32, #tpu.memory_space<hbm>> -> memref<1x1024xf32, #tpu.memory_space<hbm>>
      %dma_start3A_49 = tpu.memref_squeeze %dma_start3A_48 : memref<1x1024xf32, #tpu.memory_space<hbm>> -> memref<1024xf32, #tpu.memory_space<hbm>>
      tpu.enqueue_dma source(%dma_start3A_49 : memref<1024xf32, #tpu.memory_space<hbm>>) target(%arg10 : memref<1024xf32, #tpu.memory_space<vmem>>) target_semaphore(%arg17 : memref<!tpu.dma_semaphore, #tpu.memory_space<semaphore_mem>>)
      %dma_wait3A_50 = arith.constant 1 : i32
      %dma_wait3A_51 = arith.constant 0 : i32
      %dma_wait3A_52 = tpu.memref_slice %arg2[%dma_wait3A_50, %dma_wait3A_51] : memref<2x1024xf32, #tpu.memory_space<hbm>> -> memref<1x1024xf32, #tpu.memory_space<hbm>>
      %dma_wait3A_53 = tpu.memref_squeeze %dma_wait3A_52 : memref<1x1024xf32, #tpu.memory_space<hbm>> -> memref<1024xf32, #tpu.memory_space<hbm>>
      %dma_wait3A_54 = arith.constant 0 : i32
      %dma_wait3A_55 = tpu.memref_slice %arg2[%dma_wait3A_50, %dma_wait3A_54] : memref<2x1024xf32, #tpu.memory_space<hbm>> -> memref<1x1024xf32, #tpu.memory_space<hbm>>
      %dma_wait3A_56 = tpu.memref_squeeze %dma_wait3A_55 : memref<1x1024xf32, #tpu.memory_space<hbm>> -> memref<1024xf32, #tpu.memory_space<hbm>>
      tpu.wait_dma2 semaphore(%arg17 : memref<!tpu.dma_semaphore, #tpu.memory_space<semaphore_mem>>) src(%dma_wait3A_56 : memref<1024xf32, #tpu.memory_space<hbm>>) dst(%arg10 : memref<1024xf32, #tpu.memory_space<vmem>>)
      %broadcast_in_dim3A_57 = arith.constant 0.000000e+00 : f32
      %broadcast_in_dim3A_58 = vector.broadcast %broadcast_in_dim3A_57 : f32 to vector<16xf32>
      %scan3A_59 = arith.constant 0 : i32
      %scan3A_60 = arith.constant 64 : i32
      %scan3A_61 = arith.addi %scan3A_59, %scan3A_60 : i32
      %scan3A_62 = arith.constant 1 : i32
      %scan3A_63 = scf.for %scan3A_79 = %scan3A_59 to %scan3A_61 step %scan3A_62 iter_args(%scan3A_80 = %broadcast_in_dim3A_58) -> (vector<16xf32>)  : i32 {
        %mul3A = arith.constant 16 : i32
        %mul3A_81 = arith.muli %scan3A_79, %mul3A : i32
        %get3A = arith.index_cast %mul3A_81 : i32 to index
        %get3A_82 = tpu.vector_load %arg9[%get3A] {strides = array<i32>} : memref<1024xf32, #tpu.memory_space<vmem>>, vector<16xf32>,
        %mul3A_83 = arith.constant 16 : i32
        %mul3A_84 = arith.muli %scan3A_79, %mul3A_83 : i32
        %get3A_85 = arith.index_cast %mul3A_84 : i32 to index
        %get3A_86 = tpu.vector_load %arg10[%get3A_85] {strides = array<i32>} : memref<1024xf32, #tpu.memory_space<vmem>>, vector<16xf32>,
        %mul3A_87 = arith.mulf %get3A_82, %get3A_86 : vector<16xf32>
        %add3A = arith.addf %scan3A_80, %mul3A_87 : vector<16xf32>
        scf.yield %add3A : vector<16xf32>
      }
      %scan3A_64 = arith.constant 64 : i32
      %reduce_sum3A_65 = arith.constant true
      %reduce_sum3A_66 = vector.broadcast %reduce_sum3A_65 : i1 to vector<16xi1>
      %reduce_sum3A_67 = tpu.scan <sum>, %scan3A_63 masked %reduce_sum3A_66 : vector<16xf32>, vector<16xi1> -> vector<16xf32>
      %reduce_sum3A_68 = vector.extract %reduce_sum3A_67[15] : f32 from vector<16xf32>
      %broadcast_in_dim3A_69 = vector.broadcast %reduce_sum3A_68 : f32 to vector<16xf32>
      %swap3A_70 = arith.constant 0 : index
      %swap3A_71 = tpu.vector_load %arg11[%swap3A_70] {strides = array<i32>} : memref<16xf32, #tpu.memory_space<vmem>>, vector<16xf32>,
      tpu.vector_store %arg11[%swap3A_70], %broadcast_in_dim3A_69 {strides = array<i32>} : memref<16xf32, #tpu.memory_space<vmem>>, vector<16xf32>,
      "tpu.region"() ({
        %run_scoped3A = tpu.sem_alloc : memref<!tpu.dma_semaphore, #tpu.memory_space<semaphore_mem>>
        %dma_start3A_79 = arith.constant 0 : i32
        %dma_start3A_80 = tpu.memref_slice %arg16[%arg1, %dma_start3A_79] : memref<16x16xf32, #tpu.memory_space<vmem_shared>> -> memref<1x16xf32, #tpu.memory_space<vmem_shared>>
        %dma_start3A_81 = tpu.memref_squeeze %dma_start3A_80 : memref<1x16xf32, #tpu.memory_space<vmem_shared>> -> memref<16xf32, #tpu.memory_space<vmem_shared>>
        %dma_start3A_82 = arith.constant 0 : i32
        %dma_start3A_83 = tpu.memref_slice %arg16[%arg1, %dma_start3A_82] : memref<16x16xf32, #tpu.memory_space<vmem_shared>> -> memref<1x16xf32, #tpu.memory_space<vmem_shared>>
        %dma_start3A_84 = tpu.memref_squeeze %dma_start3A_83 : memref<1x16xf32, #tpu.memory_space<vmem_shared>> -> memref<16xf32, #tpu.memory_space<vmem_shared>>
        tpu.enqueue_dma source(%arg11 : memref<16xf32, #tpu.memory_space<vmem>>) target(%dma_start3A_84 : memref<16xf32, #tpu.memory_space<vmem_shared>>) target_semaphore(%run_scoped3A : memref<!tpu.dma_semaphore, #tpu.memory_space<semaphore_mem>>)
        %dma_wait3A_85 = arith.constant 0 : i32
        %dma_wait3A_86 = tpu.memref_slice %arg16[%arg1, %dma_wait3A_85] : memref<16x16xf32, #tpu.memory_space<vmem_shared>> -> memref<1x16xf32, #tpu.memory_space<vmem_shared>>
        %dma_wait3A_87 = tpu.memref_squeeze %dma_wait3A_86 : memref<1x16xf32, #tpu.memory_space<vmem_shared>> -> memref<16xf32, #tpu.memory_space<vmem_shared>>
        %dma_wait3A_88 = arith.constant 0 : i32
        %dma_wait3A_89 = tpu.memref_slice %arg16[%arg1, %dma_wait3A_88] : memref<16x16xf32, #tpu.memory_space<vmem_shared>> -> memref<1x16xf32, #tpu.memory_space<vmem_shared>>
        %dma_wait3A_90 = tpu.memref_squeeze %dma_wait3A_89 : memref<1x16xf32, #tpu.memory_space<vmem_shared>> -> memref<16xf32, #tpu.memory_space<vmem_shared>>
        tpu.wait_dma2 semaphore(%run_scoped3A : memref<!tpu.dma_semaphore, #tpu.memory_space<semaphore_mem>>) src(%arg11 : memref<16xf32, #tpu.memory_space<vmem>>) dst(%dma_wait3A_90 : memref<16xf32, #tpu.memory_space<vmem_shared>>)
        tpu.yield
      }) : () -> ()
      %barrier3A_72 = arith.constant 0 : index
      tpu.barrier barrier_id(%barrier3A_72)
      %eq3A_73 = arith.constant 0 : i32
      %eq3A_74 = arith.cmpi eq, %arg1, %eq3A_73 : i32
      %convert_element_type3A_75 = arith.extui %eq3A_74 : i1 to i32
      %cond3A_76 = arith.constant 0 : i32
      %cond3A_77 = arith.cmpi ne, %convert_element_type3A_75, %cond3A_76 : i32
      scf.if %cond3A_77 {
        tpu.enqueue_dma source(%arg4 : memref<16xf32, #tpu.memory_space<hbm>>) target(%arg13 : memref<16xf32, #tpu.memory_space<vmem>>) target_semaphore(%arg17 : memref<!tpu.dma_semaphore, #tpu.memory_space<semaphore_mem>>)
        tpu.wait_dma2 semaphore(%arg17 : memref<!tpu.dma_semaphore, #tpu.memory_space<semaphore_mem>>) src(%arg4 : memref<16xf32, #tpu.memory_space<hbm>>) dst(%arg13 : memref<16xf32, #tpu.memory_space<vmem>>)
        tpu.enqueue_dma source(%arg5 : memref<16xf32, #tpu.memory_space<hbm>>) target(%arg14 : memref<16xf32, #tpu.memory_space<vmem>>) target_semaphore(%arg17 : memref<!tpu.dma_semaphore, #tpu.memory_space<semaphore_mem>>)
        tpu.wait_dma2 semaphore(%arg17 : memref<!tpu.dma_semaphore, #tpu.memory_space<semaphore_mem>>) src(%arg5 : memref<16xf32, #tpu.memory_space<hbm>>) dst(%arg14 : memref<16xf32, #tpu.memory_space<vmem>>)
        tpu.enqueue_dma source(%arg6 : memref<16xf32, #tpu.memory_space<hbm>>) target(%arg15 : memref<16xf32, #tpu.memory_space<vmem>>) target_semaphore(%arg17 : memref<!tpu.dma_semaphore, #tpu.memory_space<semaphore_mem>>)
        tpu.wait_dma2 semaphore(%arg17 : memref<!tpu.dma_semaphore, #tpu.memory_space<semaphore_mem>>) src(%arg6 : memref<16xf32, #tpu.memory_space<hbm>>) dst(%arg15 : memref<16xf32, #tpu.memory_space<vmem>>)
        "tpu.region"() ({
          %run_scoped3A_289 = tpu.sem_alloc : memref<!tpu.dma_semaphore, #tpu.memory_space<semaphore_mem>>
          tpu.enqueue_dma source(%arg16 : memref<16x16xf32, #tpu.memory_space<vmem_shared>>) target(%arg12 : memref<16x16xf32, #tpu.memory_space<vmem>>) target_semaphore(%run_scoped3A_289 : memref<!tpu.dma_semaphore, #tpu.memory_space<semaphore_mem>>)
          tpu.wait_dma2 semaphore(%run_scoped3A_289 : memref<!tpu.dma_semaphore, #tpu.memory_space<semaphore_mem>>) src(%arg16 : memref<16x16xf32, #tpu.memory_space<vmem_shared>>) dst(%arg12 : memref<16x16xf32, #tpu.memory_space<vmem>>)
          tpu.yield
        }) : () -> ()
        %iota3A = tpu.iota {dimensions = array<i32: 0>} : vector<16xi32>
        %broadcast_in_dim3A_79 = arith.constant 0.000000e+00 : f32
        %broadcast_in_dim3A_80 = vector.broadcast %broadcast_in_dim3A_79 : f32 to vector<16xf32>
        %eq3A_81 = arith.constant 0 : i32
        %eq3A_82 = vector.broadcast %eq3A_81 : i32 to vector<16xi32>
        %eq3A_83 = arith.cmpi eq, %iota3A, %eq3A_82 : vector<16xi32>
        %get3A = arith.constant 0 : i32
        %get3A_84 = arith.index_cast %get3A : i32 to index
        %get3A_85 = arith.constant 0 : index
        %get3A_86 = tpu.vector_load %arg12[%get3A_84, %get3A_85] {strides = array<i32>} : memref<16x16xf32, #tpu.memory_space<vmem>>, vector<16xf32>,
        %jit3A = arith.constant 0.000000e+00 : f32
        %broadcast_in_dim3A_87 = vector.broadcast %jit3A : f32 to vector<16xf32>
        %select_n3A = arith.select %eq3A_83, %get3A_86, %broadcast_in_dim3A_87 : vector<16xi1>, vector<16xf32>
        %add3A = arith.addf %broadcast_in_dim3A_80, %select_n3A : vector<16xf32>
        %eq3A_88 = arith.constant 1 : i32
        %eq3A_89 = vector.broadcast %eq3A_88 : i32 to vector<16xi32>
        %eq3A_90 = arith.cmpi eq, %iota3A, %eq3A_89 : vector<16xi32>
        %get3A_91 = arith.constant 1 : i32
        %get3A_92 = arith.index_cast %get3A_91 : i32 to index
        %get3A_93 = arith.constant 0 : index
        %get3A_94 = tpu.vector_load %arg12[%get3A_92, %get3A_93] {strides = array<i32>} : memref<16x16xf32, #tpu.memory_space<vmem>>, vector<16xf32>,
        %jit3A_95 = arith.constant 0.000000e+00 : f32
        %broadcast_in_dim3A_96 = vector.broadcast %jit3A_95 : f32 to vector<16xf32>
        %select_n3A_97 = arith.select %eq3A_90, %get3A_94, %broadcast_in_dim3A_96 : vector<16xi1>, vector<16xf32>
        %add3A_98 = arith.addf %add3A, %select_n3A_97 : vector<16xf32>
        %eq3A_99 = arith.constant 2 : i32
        %eq3A_100 = vector.broadcast %eq3A_99 : i32 to vector<16xi32>
        %eq3A_101 = arith.cmpi eq, %iota3A, %eq3A_100 : vector<16xi32>
        %get3A_102 = arith.constant 2 : i32
        %get3A_103 = arith.index_cast %get3A_102 : i32 to index
        %get3A_104 = arith.constant 0 : index
        %get3A_105 = tpu.vector_load %arg12[%get3A_103, %get3A_104] {strides = array<i32>} : memref<16x16xf32, #tpu.memory_space<vmem>>, vector<16xf32>,
        %jit3A_106 = arith.constant 0.000000e+00 : f32
        %broadcast_in_dim3A_107 = vector.broadcast %jit3A_106 : f32 to vector<16xf32>
        %select_n3A_108 = arith.select %eq3A_101, %get3A_105, %broadcast_in_dim3A_107 : vector<16xi1>, vector<16xf32>
        %add3A_109 = arith.addf %add3A_98, %select_n3A_108 : vector<16xf32>
        %eq3A_110 = arith.constant 3 : i32
        %eq3A_111 = vector.broadcast %eq3A_110 : i32 to vector<16xi32>
        %eq3A_112 = arith.cmpi eq, %iota3A, %eq3A_111 : vector<16xi32>
        %get3A_113 = arith.constant 3 : i32
        %get3A_114 = arith.index_cast %get3A_113 : i32 to index
        %get3A_115 = arith.constant 0 : index
        %get3A_116 = tpu.vector_load %arg12[%get3A_114, %get3A_115] {strides = array<i32>} : memref<16x16xf32, #tpu.memory_space<vmem>>, vector<16xf32>,
        %jit3A_117 = arith.constant 0.000000e+00 : f32
        %broadcast_in_dim3A_118 = vector.broadcast %jit3A_117 : f32 to vector<16xf32>
        %select_n3A_119 = arith.select %eq3A_112, %get3A_116, %broadcast_in_dim3A_118 : vector<16xi1>, vector<16xf32>
        %add3A_120 = arith.addf %add3A_109, %select_n3A_119 : vector<16xf32>
        %eq3A_121 = arith.constant 4 : i32
        %eq3A_122 = vector.broadcast %eq3A_121 : i32 to vector<16xi32>
        %eq3A_123 = arith.cmpi eq, %iota3A, %eq3A_122 : vector<16xi32>
        %get3A_124 = arith.constant 4 : i32
        %get3A_125 = arith.index_cast %get3A_124 : i32 to index
        %get3A_126 = arith.constant 0 : index
        %get3A_127 = tpu.vector_load %arg12[%get3A_125, %get3A_126] {strides = array<i32>} : memref<16x16xf32, #tpu.memory_space<vmem>>, vector<16xf32>,
        %jit3A_128 = arith.constant 0.000000e+00 : f32
        %broadcast_in_dim3A_129 = vector.broadcast %jit3A_128 : f32 to vector<16xf32>
        %select_n3A_130 = arith.select %eq3A_123, %get3A_127, %broadcast_in_dim3A_129 : vector<16xi1>, vector<16xf32>
        %add3A_131 = arith.addf %add3A_120, %select_n3A_130 : vector<16xf32>
        %eq3A_132 = arith.constant 5 : i32
        %eq3A_133 = vector.broadcast %eq3A_132 : i32 to vector<16xi32>
        %eq3A_134 = arith.cmpi eq, %iota3A, %eq3A_133 : vector<16xi32>
        %get3A_135 = arith.constant 5 : i32
        %get3A_136 = arith.index_cast %get3A_135 : i32 to index
        %get3A_137 = arith.constant 0 : index
        %get3A_138 = tpu.vector_load %arg12[%get3A_136, %get3A_137] {strides = array<i32>} : memref<16x16xf32, #tpu.memory_space<vmem>>, vector<16xf32>,
        %jit3A_139 = arith.constant 0.000000e+00 : f32
        %broadcast_in_dim3A_140 = vector.broadcast %jit3A_139 : f32 to vector<16xf32>
        %select_n3A_141 = arith.select %eq3A_134, %get3A_138, %broadcast_in_dim3A_140 : vector<16xi1>, vector<16xf32>
        %add3A_142 = arith.addf %add3A_131, %select_n3A_141 : vector<16xf32>
        %eq3A_143 = arith.constant 6 : i32
        %eq3A_144 = vector.broadcast %eq3A_143 : i32 to vector<16xi32>
        %eq3A_145 = arith.cmpi eq, %iota3A, %eq3A_144 : vector<16xi32>
        %get3A_146 = arith.constant 6 : i32
        %get3A_147 = arith.index_cast %get3A_146 : i32 to index
        %get3A_148 = arith.constant 0 : index
        %get3A_149 = tpu.vector_load %arg12[%get3A_147, %get3A_148] {strides = array<i32>} : memref<16x16xf32, #tpu.memory_space<vmem>>, vector<16xf32>,
        %jit3A_150 = arith.constant 0.000000e+00 : f32
        %broadcast_in_dim3A_151 = vector.broadcast %jit3A_150 : f32 to vector<16xf32>
        %select_n3A_152 = arith.select %eq3A_145, %get3A_149, %broadcast_in_dim3A_151 : vector<16xi1>, vector<16xf32>
        %add3A_153 = arith.addf %add3A_142, %select_n3A_152 : vector<16xf32>
        %eq3A_154 = arith.constant 7 : i32
        %eq3A_155 = vector.broadcast %eq3A_154 : i32 to vector<16xi32>
        %eq3A_156 = arith.cmpi eq, %iota3A, %eq3A_155 : vector<16xi32>
        %get3A_157 = arith.constant 7 : i32
        %get3A_158 = arith.index_cast %get3A_157 : i32 to index
        %get3A_159 = arith.constant 0 : index
        %get3A_160 = tpu.vector_load %arg12[%get3A_158, %get3A_159] {strides = array<i32>} : memref<16x16xf32, #tpu.memory_space<vmem>>, vector<16xf32>,
        %jit3A_161 = arith.constant 0.000000e+00 : f32
        %broadcast_in_dim3A_162 = vector.broadcast %jit3A_161 : f32 to vector<16xf32>
        %select_n3A_163 = arith.select %eq3A_156, %get3A_160, %broadcast_in_dim3A_162 : vector<16xi1>, vector<16xf32>
        %add3A_164 = arith.addf %add3A_153, %select_n3A_163 : vector<16xf32>
        %eq3A_165 = arith.constant 8 : i32
        %eq3A_166 = vector.broadcast %eq3A_165 : i32 to vector<16xi32>
        %eq3A_167 = arith.cmpi eq, %iota3A, %eq3A_166 : vector<16xi32>
        %get3A_168 = arith.constant 8 : i32
        %get3A_169 = arith.index_cast %get3A_168 : i32 to index
        %get3A_170 = arith.constant 0 : index
        %get3A_171 = tpu.vector_load %arg12[%get3A_169, %get3A_170] {strides = array<i32>} : memref<16x16xf32, #tpu.memory_space<vmem>>, vector<16xf32>,
        %jit3A_172 = arith.constant 0.000000e+00 : f32
        %broadcast_in_dim3A_173 = vector.broadcast %jit3A_172 : f32 to vector<16xf32>
        %select_n3A_174 = arith.select %eq3A_167, %get3A_171, %broadcast_in_dim3A_173 : vector<16xi1>, vector<16xf32>
        %add3A_175 = arith.addf %add3A_164, %select_n3A_174 : vector<16xf32>
        %eq3A_176 = arith.constant 9 : i32
        %eq3A_177 = vector.broadcast %eq3A_176 : i32 to vector<16xi32>
        %eq3A_178 = arith.cmpi eq, %iota3A, %eq3A_177 : vector<16xi32>
        %get3A_179 = arith.constant 9 : i32
        %get3A_180 = arith.index_cast %get3A_179 : i32 to index
        %get3A_181 = arith.constant 0 : index
        %get3A_182 = tpu.vector_load %arg12[%get3A_180, %get3A_181] {strides = array<i32>} : memref<16x16xf32, #tpu.memory_space<vmem>>, vector<16xf32>,
        %jit3A_183 = arith.constant 0.000000e+00 : f32
        %broadcast_in_dim3A_184 = vector.broadcast %jit3A_183 : f32 to vector<16xf32>
        %select_n3A_185 = arith.select %eq3A_178, %get3A_182, %broadcast_in_dim3A_184 : vector<16xi1>, vector<16xf32>
        %add3A_186 = arith.addf %add3A_175, %select_n3A_185 : vector<16xf32>
        %eq3A_187 = arith.constant 10 : i32
        %eq3A_188 = vector.broadcast %eq3A_187 : i32 to vector<16xi32>
        %eq3A_189 = arith.cmpi eq, %iota3A, %eq3A_188 : vector<16xi32>
        %get3A_190 = arith.constant 10 : i32
        %get3A_191 = arith.index_cast %get3A_190 : i32 to index
        %get3A_192 = arith.constant 0 : index
        %get3A_193 = tpu.vector_load %arg12[%get3A_191, %get3A_192] {strides = array<i32>} : memref<16x16xf32, #tpu.memory_space<vmem>>, vector<16xf32>,
        %jit3A_194 = arith.constant 0.000000e+00 : f32
        %broadcast_in_dim3A_195 = vector.broadcast %jit3A_194 : f32 to vector<16xf32>
        %select_n3A_196 = arith.select %eq3A_189, %get3A_193, %broadcast_in_dim3A_195 : vector<16xi1>, vector<16xf32>
        %add3A_197 = arith.addf %add3A_186, %select_n3A_196 : vector<16xf32>
        %eq3A_198 = arith.constant 11 : i32
        %eq3A_199 = vector.broadcast %eq3A_198 : i32 to vector<16xi32>
        %eq3A_200 = arith.cmpi eq, %iota3A, %eq3A_199 : vector<16xi32>
        %get3A_201 = arith.constant 11 : i32
        %get3A_202 = arith.index_cast %get3A_201 : i32 to index
        %get3A_203 = arith.constant 0 : index
        %get3A_204 = tpu.vector_load %arg12[%get3A_202, %get3A_203] {strides = array<i32>} : memref<16x16xf32, #tpu.memory_space<vmem>>, vector<16xf32>,
        %jit3A_205 = arith.constant 0.000000e+00 : f32
        %broadcast_in_dim3A_206 = vector.broadcast %jit3A_205 : f32 to vector<16xf32>
        %select_n3A_207 = arith.select %eq3A_200, %get3A_204, %broadcast_in_dim3A_206 : vector<16xi1>, vector<16xf32>
        %add3A_208 = arith.addf %add3A_197, %select_n3A_207 : vector<16xf32>
        %eq3A_209 = arith.constant 12 : i32
        %eq3A_210 = vector.broadcast %eq3A_209 : i32 to vector<16xi32>
        %eq3A_211 = arith.cmpi eq, %iota3A, %eq3A_210 : vector<16xi32>
        %get3A_212 = arith.constant 12 : i32
        %get3A_213 = arith.index_cast %get3A_212 : i32 to index
        %get3A_214 = arith.constant 0 : index
        %get3A_215 = tpu.vector_load %arg12[%get3A_213, %get3A_214] {strides = array<i32>} : memref<16x16xf32, #tpu.memory_space<vmem>>, vector<16xf32>,
        %jit3A_216 = arith.constant 0.000000e+00 : f32
        %broadcast_in_dim3A_217 = vector.broadcast %jit3A_216 : f32 to vector<16xf32>
        %select_n3A_218 = arith.select %eq3A_211, %get3A_215, %broadcast_in_dim3A_217 : vector<16xi1>, vector<16xf32>
        %add3A_219 = arith.addf %add3A_208, %select_n3A_218 : vector<16xf32>
        %eq3A_220 = arith.constant 13 : i32
        %eq3A_221 = vector.broadcast %eq3A_220 : i32 to vector<16xi32>
        %eq3A_222 = arith.cmpi eq, %iota3A, %eq3A_221 : vector<16xi32>
        %get3A_223 = arith.constant 13 : i32
        %get3A_224 = arith.index_cast %get3A_223 : i32 to index
        %get3A_225 = arith.constant 0 : index
        %get3A_226 = tpu.vector_load %arg12[%get3A_224, %get3A_225] {strides = array<i32>} : memref<16x16xf32, #tpu.memory_space<vmem>>, vector<16xf32>,
        %jit3A_227 = arith.constant 0.000000e+00 : f32
        %broadcast_in_dim3A_228 = vector.broadcast %jit3A_227 : f32 to vector<16xf32>
        %select_n3A_229 = arith.select %eq3A_222, %get3A_226, %broadcast_in_dim3A_228 : vector<16xi1>, vector<16xf32>
        %add3A_230 = arith.addf %add3A_219, %select_n3A_229 : vector<16xf32>
        %eq3A_231 = arith.constant 14 : i32
        %eq3A_232 = vector.broadcast %eq3A_231 : i32 to vector<16xi32>
        %eq3A_233 = arith.cmpi eq, %iota3A, %eq3A_232 : vector<16xi32>
        %get3A_234 = arith.constant 14 : i32
        %get3A_235 = arith.index_cast %get3A_234 : i32 to index
        %get3A_236 = arith.constant 0 : index
        %get3A_237 = tpu.vector_load %arg12[%get3A_235, %get3A_236] {strides = array<i32>} : memref<16x16xf32, #tpu.memory_space<vmem>>, vector<16xf32>,
        %jit3A_238 = arith.constant 0.000000e+00 : f32
        %broadcast_in_dim3A_239 = vector.broadcast %jit3A_238 : f32 to vector<16xf32>
        %select_n3A_240 = arith.select %eq3A_233, %get3A_237, %broadcast_in_dim3A_239 : vector<16xi1>, vector<16xf32>
        %add3A_241 = arith.addf %add3A_230, %select_n3A_240 : vector<16xf32>
        %eq3A_242 = arith.constant 15 : i32
        %eq3A_243 = vector.broadcast %eq3A_242 : i32 to vector<16xi32>
        %eq3A_244 = arith.cmpi eq, %iota3A, %eq3A_243 : vector<16xi32>
        %get3A_245 = arith.constant 15 : i32
        %get3A_246 = arith.index_cast %get3A_245 : i32 to index
        %get3A_247 = arith.constant 0 : index
        %get3A_248 = tpu.vector_load %arg12[%get3A_246, %get3A_247] {strides = array<i32>} : memref<16x16xf32, #tpu.memory_space<vmem>>, vector<16xf32>,
        %jit3A_249 = arith.constant 0.000000e+00 : f32
        %broadcast_in_dim3A_250 = vector.broadcast %jit3A_249 : f32 to vector<16xf32>
        %select_n3A_251 = arith.select %eq3A_244, %get3A_248, %broadcast_in_dim3A_250 : vector<16xi1>, vector<16xf32>
        %add3A_252 = arith.addf %add3A_241, %select_n3A_251 : vector<16xf32>
        %mul3A = arith.constant 2.44140625E-4 : f32
        %mul3A_253 = vector.broadcast %mul3A : f32 to vector<16xf32>
        %mul3A_254 = arith.mulf %add3A_252, %mul3A_253 : vector<16xf32>
        %get3A_255 = arith.constant 0 : index
        %get3A_256 = tpu.vector_load %arg13[%get3A_255] {strides = array<i32>} : memref<16xf32, #tpu.memory_space<vmem>>, vector<16xf32>,
        %add3A_257 = arith.addf %mul3A_254, %get3A_256 : vector<16xf32>
        %reduce_max3A = arith.constant true
        %reduce_max3A_258 = vector.broadcast %reduce_max3A : i1 to vector<16xi1>
        %reduce_max3A_259 = tpu.scan <max>, %add3A_257 masked %reduce_max3A_258 : vector<16xf32>, vector<16xi1> -> vector<16xf32>
        %reduce_max3A_260 = vector.extract %reduce_max3A_259[15] : f32 from vector<16xf32>
        %ge3A = vector.broadcast %reduce_max3A_260 : f32 to vector<16xf32>
        %ge3A_261 = arith.cmpf oge, %add3A_257, %ge3A : vector<16xf32>
        %jit3A_262 = arith.constant 16 : i32
        %broadcast_in_dim3A_263 = vector.broadcast %jit3A_262 : i32 to vector<16xi32>
        %select_n3A_264 = arith.select %ge3A_261, %iota3A, %broadcast_in_dim3A_263 : vector<16xi1>, vector<16xi32>
        %reduce_min3A = arith.constant true
        %reduce_min3A_265 = vector.broadcast %reduce_min3A : i1 to vector<16xi1>
        %reduce_min3A_266 = arith.constant -2147483648 : i32
        %reduce_min3A_267 = vector.broadcast %reduce_min3A_266 : i32 to vector<16xi32>
        %reduce_min3A_268 = arith.xori %select_n3A_264, %reduce_min3A_267 : vector<16xi32>
        %reduce_min3A_269 = tpu.scan <min>, %reduce_min3A_268 masked %reduce_min3A_265 : vector<16xi32>, vector<16xi1> -> vector<16xi32>
        %reduce_min3A_270 = arith.xori %reduce_min3A_269, %reduce_min3A_267 : vector<16xi32>
        %reduce_min3A_271 = vector.extract %reduce_min3A_270[15] : i32 from vector<16xi32>
        %eq3A_272 = vector.broadcast %reduce_min3A_271 : i32 to vector<16xi32>
        %eq3A_273 = arith.cmpi eq, %iota3A, %eq3A_272 : vector<16xi32>
        %get3A_274 = arith.constant 0 : index
        %get3A_275 = tpu.vector_load %arg14[%get3A_274] {strides = array<i32>} : memref<16xf32, #tpu.memory_space<vmem>>, vector<16xf32>,
        %jit3A_276 = arith.constant 0.000000e+00 : f32
        %broadcast_in_dim3A_277 = vector.broadcast %jit3A_276 : f32 to vector<16xf32>
        %select_n3A_278 = arith.select %eq3A_273, %get3A_275, %broadcast_in_dim3A_277 : vector<16xi1>, vector<16xf32>
        %swap3A_279 = arith.constant 0 : index
        %swap3A_280 = tpu.vector_load %arg11[%swap3A_279] {strides = array<i32>} : memref<16xf32, #tpu.memory_space<vmem>>, vector<16xf32>,
        tpu.vector_store %arg11[%swap3A_279], %select_n3A_278 {strides = array<i32>} : memref<16xf32, #tpu.memory_space<vmem>>, vector<16xf32>,
        %run_scoped3A = arith.constant 1 : i32
        "tpu.region"() ({
          %run_scoped3A_289 = tpu.sem_alloc : memref<!tpu.dma_semaphore, #tpu.memory_space<semaphore_mem>>
          %dma_start3A_290 = arith.constant 0 : i32
          %dma_start3A_291 = tpu.memref_slice %arg7[%run_scoped3A, %dma_start3A_290] : memref<2x16xf32, #tpu.memory_space<hbm>> -> memref<1x16xf32, #tpu.memory_space<hbm>>
          %dma_start3A_292 = tpu.memref_squeeze %dma_start3A_291 : memref<1x16xf32, #tpu.memory_space<hbm>> -> memref<16xf32, #tpu.memory_space<hbm>>
          %dma_start3A_293 = arith.constant 0 : i32
          %dma_start3A_294 = tpu.memref_slice %arg7[%run_scoped3A, %dma_start3A_293] : memref<2x16xf32, #tpu.memory_space<hbm>> -> memref<1x16xf32, #tpu.memory_space<hbm>>
          %dma_start3A_295 = tpu.memref_squeeze %dma_start3A_294 : memref<1x16xf32, #tpu.memory_space<hbm>> -> memref<16xf32, #tpu.memory_space<hbm>>
          tpu.enqueue_dma source(%arg11 : memref<16xf32, #tpu.memory_space<vmem>>) target(%dma_start3A_295 : memref<16xf32, #tpu.memory_space<hbm>>) target_semaphore(%run_scoped3A_289 : memref<!tpu.dma_semaphore, #tpu.memory_space<semaphore_mem>>)
          %dma_wait3A_296 = arith.constant 0 : i32
          %dma_wait3A_297 = tpu.memref_slice %arg7[%run_scoped3A, %dma_wait3A_296] : memref<2x16xf32, #tpu.memory_space<hbm>> -> memref<1x16xf32, #tpu.memory_space<hbm>>
          %dma_wait3A_298 = tpu.memref_squeeze %dma_wait3A_297 : memref<1x16xf32, #tpu.memory_space<hbm>> -> memref<16xf32, #tpu.memory_space<hbm>>
          %dma_wait3A_299 = arith.constant 0 : i32
          %dma_wait3A_300 = tpu.memref_slice %arg7[%run_scoped3A, %dma_wait3A_299] : memref<2x16xf32, #tpu.memory_space<hbm>> -> memref<1x16xf32, #tpu.memory_space<hbm>>
          %dma_wait3A_301 = tpu.memref_squeeze %dma_wait3A_300 : memref<1x16xf32, #tpu.memory_space<hbm>> -> memref<16xf32, #tpu.memory_space<hbm>>
          tpu.wait_dma2 semaphore(%run_scoped3A_289 : memref<!tpu.dma_semaphore, #tpu.memory_space<semaphore_mem>>) src(%arg11 : memref<16xf32, #tpu.memory_space<vmem>>) dst(%dma_wait3A_301 : memref<16xf32, #tpu.memory_space<hbm>>)
          tpu.yield
        }) : () -> ()
        %get3A_281 = arith.constant 0 : index
        %get3A_282 = tpu.vector_load %arg15[%get3A_281] {strides = array<i32>} : memref<16xf32, #tpu.memory_space<vmem>>, vector<16xf32>,
        %jit3A_283 = arith.constant 0.000000e+00 : f32
        %broadcast_in_dim3A_284 = vector.broadcast %jit3A_283 : f32 to vector<16xf32>
        %select_n3A_285 = arith.select %eq3A_273, %get3A_282, %broadcast_in_dim3A_284 : vector<16xi1>, vector<16xf32>
        %swap3A_286 = arith.constant 0 : index
        %swap3A_287 = tpu.vector_load %arg11[%swap3A_286] {strides = array<i32>} : memref<16xf32, #tpu.memory_space<vmem>>, vector<16xf32>,
        tpu.vector_store %arg11[%swap3A_286], %select_n3A_285 {strides = array<i32>} : memref<16xf32, #tpu.memory_space<vmem>>, vector<16xf32>,
        %run_scoped3A_288 = arith.constant 1 : i32
        "tpu.region"() ({
          %run_scoped3A_289 = tpu.sem_alloc : memref<!tpu.dma_semaphore, #tpu.memory_space<semaphore_mem>>
          %dma_start3A_290 = arith.constant 0 : i32
          %dma_start3A_291 = tpu.memref_slice %arg8[%run_scoped3A_288, %dma_start3A_290] : memref<2x16xf32, #tpu.memory_space<hbm>> -> memref<1x16xf32, #tpu.memory_space<hbm>>
          %dma_start3A_292 = tpu.memref_squeeze %dma_start3A_291 : memref<1x16xf32, #tpu.memory_space<hbm>> -> memref<16xf32, #tpu.memory_space<hbm>>
          %dma_start3A_293 = arith.constant 0 : i32
          %dma_start3A_294 = tpu.memref_slice %arg8[%run_scoped3A_288, %dma_start3A_293] : memref<2x16xf32, #tpu.memory_space<hbm>> -> memref<1x16xf32, #tpu.memory_space<hbm>>
          %dma_start3A_295 = tpu.memref_squeeze %dma_start3A_294 : memref<1x16xf32, #tpu.memory_space<hbm>> -> memref<16xf32, #tpu.memory_space<hbm>>
          tpu.enqueue_dma source(%arg11 : memref<16xf32, #tpu.memory_space<vmem>>) target(%dma_start3A_295 : memref<16xf32, #tpu.memory_space<hbm>>) target_semaphore(%run_scoped3A_289 : memref<!tpu.dma_semaphore, #tpu.memory_space<semaphore_mem>>)
          %dma_wait3A_296 = arith.constant 0 : i32
          %dma_wait3A_297 = tpu.memref_slice %arg8[%run_scoped3A_288, %dma_wait3A_296] : memref<2x16xf32, #tpu.memory_space<hbm>> -> memref<1x16xf32, #tpu.memory_space<hbm>>
          %dma_wait3A_298 = tpu.memref_squeeze %dma_wait3A_297 : memref<1x16xf32, #tpu.memory_space<hbm>> -> memref<16xf32, #tpu.memory_space<hbm>>
          %dma_wait3A_299 = arith.constant 0 : i32
          %dma_wait3A_300 = tpu.memref_slice %arg8[%run_scoped3A_288, %dma_wait3A_299] : memref<2x16xf32, #tpu.memory_space<hbm>> -> memref<1x16xf32, #tpu.memory_space<hbm>>
          %dma_wait3A_301 = tpu.memref_squeeze %dma_wait3A_300 : memref<1x16xf32, #tpu.memory_space<hbm>> -> memref<16xf32, #tpu.memory_space<hbm>>
          tpu.wait_dma2 semaphore(%run_scoped3A_289 : memref<!tpu.dma_semaphore, #tpu.memory_space<semaphore_mem>>) src(%arg11 : memref<16xf32, #tpu.memory_space<vmem>>) dst(%dma_wait3A_301 : memref<16xf32, #tpu.memory_space<hbm>>)
          tpu.yield
        }) : () -> ()
      } else {
      }
      %barrier3A_78 = arith.constant 0 : index
      tpu.barrier barrier_id(%barrier3A_78)
    } else {
    }
    return
  }
}

module attributes {stable_mosaic.version = 14 : i64} {
  func.func @_reduce_body(%arg0: i32, %arg1: memref<2x1024x512xf32, #tpu.memory_space<vmem>>, %arg2: memref<2x1024xf32, #tpu.memory_space<vmem>>, %arg3: memref<2x1024x128xf32, #tpu.memory_space<vmem>>) attributes {dimension_semantics = [#tpu.dimension_semantics<arbitrary>], iteration_bounds = array<i64: 8>, scalar_prefetch = 0 : i64, scratch_operands = 1 : i64, tpu.core_type = #tpu.core_type<tc>, window_params = [{transform_indices = @transform_0, window_bounds = array<i64: 2, 1024, 512>}, {pipeline_mode = #tpu.pipeline_mode<synchronous>, transform_indices = @transform_1, window_bounds = array<i64: 2, 1024>}]} {
    %get3A = arith.constant 0 : index
    %get3A_0 = arith.constant 0 : index
    %get3A_1 = arith.constant 0 : index
    %get3A_2 = vector.load %arg1[%get3A, %get3A_0, %get3A_1] : memref<2x1024x512xf32, #tpu.memory_space<vmem>>, vector<2x1024x512xf32>
    %slice3A = vector.extract_strided_slice %get3A_2 {offsets = [0, 0, 0], sizes = [2, 1024, 128], strides = [1, 1, 1]} : vector<2x1024x512xf32> to vector<2x1024x128xf32>
    %slice3A_3 = vector.extract_strided_slice %get3A_2 {offsets = [0, 0, 128], sizes = [2, 1024, 128], strides = [1, 1, 1]} : vector<2x1024x512xf32> to vector<2x1024x128xf32>
    %add3A = arith.addf %slice3A, %slice3A_3 : vector<2x1024x128xf32>
    %slice3A_4 = vector.extract_strided_slice %get3A_2 {offsets = [0, 0, 256], sizes = [2, 1024, 128], strides = [1, 1, 1]} : vector<2x1024x512xf32> to vector<2x1024x128xf32>
    %add3A_5 = arith.addf %add3A, %slice3A_4 : vector<2x1024x128xf32>
    %slice3A_6 = vector.extract_strided_slice %get3A_2 {offsets = [0, 0, 384], sizes = [2, 1024, 128], strides = [1, 1, 1]} : vector<2x1024x512xf32> to vector<2x1024x128xf32>
    %add3A_7 = arith.addf %add3A_5, %slice3A_6 : vector<2x1024x128xf32>
    %eq3A = arith.constant 0 : i32
    %eq3A_8 = arith.cmpi eq, %arg0, %eq3A : i32
    %convert_element_type3A = arith.extui %eq3A_8 : i1 to i32
    %cond3A = arith.constant 0 : i32
    %cond3A_9 = arith.cmpi ne, %convert_element_type3A, %cond3A : i32
    scf.if %cond3A_9 {
      %swap3A = arith.constant 0 : index
      %swap3A_19 = arith.constant 0 : index
      %swap3A_20 = arith.constant 0 : index
      %swap3A_21 = vector.load %arg3[%swap3A, %swap3A_19, %swap3A_20] : memref<2x1024x128xf32, #tpu.memory_space<vmem>>, vector<2x1024x128xf32>
      tpu.vector_store %arg3[%swap3A, %swap3A_19, %swap3A_20], %add3A_7 {strides = array<i32>} : memref<2x1024x128xf32, #tpu.memory_space<vmem>>, vector<2x1024x128xf32>,
    } else {
    }
    %gt3A = arith.constant 0 : i32
    %gt3A_10 = arith.cmpi sgt, %arg0, %gt3A : i32
    %convert_element_type3A_11 = arith.extui %gt3A_10 : i1 to i32
    %cond3A_12 = arith.constant 0 : i32
    %cond3A_13 = arith.cmpi ne, %convert_element_type3A_11, %cond3A_12 : i32
    scf.if %cond3A_13 {
      %get3A_19 = arith.constant 0 : index
      %get3A_20 = arith.constant 0 : index
      %get3A_21 = arith.constant 0 : index
      %get3A_22 = vector.load %arg3[%get3A_19, %get3A_20, %get3A_21] : memref<2x1024x128xf32, #tpu.memory_space<vmem>>, vector<2x1024x128xf32>
      %add3A_23 = arith.addf %get3A_22, %add3A_7 : vector<2x1024x128xf32>
      %swap3A = arith.constant 0 : index
      %swap3A_24 = arith.constant 0 : index
      %swap3A_25 = arith.constant 0 : index
      %swap3A_26 = vector.load %arg3[%swap3A, %swap3A_24, %swap3A_25] : memref<2x1024x128xf32, #tpu.memory_space<vmem>>, vector<2x1024x128xf32>
      tpu.vector_store %arg3[%swap3A, %swap3A_24, %swap3A_25], %add3A_23 {strides = array<i32>} : memref<2x1024x128xf32, #tpu.memory_space<vmem>>, vector<2x1024x128xf32>,
    } else {
    }
    %eq3A_14 = arith.constant 7 : i32
    %eq3A_15 = arith.cmpi eq, %arg0, %eq3A_14 : i32
    %convert_element_type3A_16 = arith.extui %eq3A_15 : i1 to i32
    %cond3A_17 = arith.constant 0 : i32
    %cond3A_18 = arith.cmpi ne, %convert_element_type3A_16, %cond3A_17 : i32
    scf.if %cond3A_18 {
      %get3A_19 = arith.constant 0 : index
      %get3A_20 = arith.constant 0 : index
      %get3A_21 = arith.constant 0 : index
      %get3A_22 = vector.load %arg3[%get3A_19, %get3A_20, %get3A_21] : memref<2x1024x128xf32, #tpu.memory_space<vmem>>, vector<2x1024x128xf32>
      %reduce_sum3A = arith.constant dense<0.000000e+00> : vector<2x1024xf32>
      %reduce_sum3A_23 = vector.multi_reduction <add>, %get3A_22, %reduce_sum3A [2] : vector<2x1024x128xf32> to vector<2x1024xf32>
      %swap3A = arith.constant 0 : index
      %swap3A_24 = arith.constant 0 : index
      %swap3A_25 = vector.load %arg2[%swap3A, %swap3A_24] : memref<2x1024xf32, #tpu.memory_space<vmem>>, vector<2x1024xf32>
      tpu.vector_store %arg2[%swap3A, %swap3A_24], %reduce_sum3A_23 {strides = array<i32>} : memref<2x1024xf32, #tpu.memory_space<vmem>>, vector<2x1024xf32>,
    } else {
    }
    return
  }
  func.func @transform_0(%arg0: i32) -> (i32, i32, i32) {
    %c0_i32 = arith.constant 0 : i32
    %c0_i32_0 = arith.constant 0 : i32
    %c0_i32_1 = arith.constant 0 : i32
    return %c0_i32, %c0_i32_0, %arg0 : i32, i32, i32
  }
  func.func @transform_1(%arg0: i32) -> (i32, i32) {
    %c0_i32 = arith.constant 0 : i32
    %c0_i32_0 = arith.constant 0 : i32
    %c0_i32_1 = arith.constant 0 : i32
    return %c0_i32, %c0_i32_0 : i32, i32
  }
}

module attributes {stable_mosaic.version = 14 : i64} {
  func.func @_apply_body(%arg0: i32, %arg1: memref<2x1024x512xf32, #tpu.memory_space<vmem>>, %arg2: memref<2x16xf32, #tpu.memory_space<vmem>>, %arg3: memref<2x16xf32, #tpu.memory_space<vmem>>, %arg4: memref<2x1024x512xf32, #tpu.memory_space<vmem>>) attributes {dimension_semantics = [#tpu.dimension_semantics<arbitrary>], iteration_bounds = array<i64: 8>, scalar_prefetch = 0 : i64, scratch_operands = 0 : i64, tpu.core_type = #tpu.core_type<tc>, window_params = [{transform_indices = @transform_0, window_bounds = array<i64: 2, 1024, 512>}, {pipeline_mode = #tpu.pipeline_mode<synchronous>, transform_indices = @transform_1, window_bounds = array<i64: 2, 16>}, {pipeline_mode = #tpu.pipeline_mode<synchronous>, transform_indices = @transform_2, window_bounds = array<i64: 2, 16>}, {transform_indices = @transform_3, window_bounds = array<i64: 2, 1024, 512>}]} {
    %get3A = arith.constant 0 : index
    %get3A_0 = arith.constant 0 : index
    %get3A_1 = vector.load %arg2[%get3A, %get3A_0] : memref<2x16xf32, #tpu.memory_space<vmem>>, vector<2x16xf32>
    %reduce_sum3A = arith.constant dense<0.000000e+00> : vector<2xf32>
    %reduce_sum3A_2 = vector.multi_reduction <add>, %get3A_1, %reduce_sum3A [1] : vector<2x16xf32> to vector<2xf32>
    %broadcast_in_dim3A = vector.shape_cast %reduce_sum3A_2 : vector<2xf32> to vector<2x1x1xf32>
    %get3A_3 = arith.constant 0 : index
    %get3A_4 = arith.constant 0 : index
    %get3A_5 = vector.load %arg3[%get3A_3, %get3A_4] : memref<2x16xf32, #tpu.memory_space<vmem>>, vector<2x16xf32>
    %reduce_sum3A_6 = arith.constant dense<0.000000e+00> : vector<2xf32>
    %reduce_sum3A_7 = vector.multi_reduction <add>, %get3A_5, %reduce_sum3A_6 [1] : vector<2x16xf32> to vector<2xf32>
    %broadcast_in_dim3A_8 = vector.shape_cast %reduce_sum3A_7 : vector<2xf32> to vector<2x1x1xf32>
    %get3A_9 = arith.constant 0 : index
    %get3A_10 = arith.constant 0 : index
    %get3A_11 = arith.constant 0 : index
    %get3A_12 = vector.load %arg1[%get3A_9, %get3A_10, %get3A_11] : memref<2x1024x512xf32, #tpu.memory_space<vmem>>, vector<2x1024x512xf32>
    %mul3A = vector.broadcast %broadcast_in_dim3A : vector<2x1x1xf32> to vector<2x1024x512xf32>
    %mul3A_13 = arith.mulf %get3A_12, %mul3A : vector<2x1024x512xf32>
    %add3A = vector.broadcast %broadcast_in_dim3A_8 : vector<2x1x1xf32> to vector<2x1024x512xf32>
    %add3A_14 = arith.addf %mul3A_13, %add3A : vector<2x1024x512xf32>
    %swap3A = arith.constant 0 : index
    %swap3A_15 = arith.constant 0 : index
    %swap3A_16 = arith.constant 0 : index
    %swap3A_17 = vector.load %arg4[%swap3A, %swap3A_15, %swap3A_16] : memref<2x1024x512xf32, #tpu.memory_space<vmem>>, vector<2x1024x512xf32>
    tpu.vector_store %arg4[%swap3A, %swap3A_15, %swap3A_16], %add3A_14 {strides = array<i32>} : memref<2x1024x512xf32, #tpu.memory_space<vmem>>, vector<2x1024x512xf32>,
    return
  }
  func.func @transform_0(%arg0: i32) -> (i32, i32, i32) {
    %c0_i32 = arith.constant 0 : i32
    %c0_i32_0 = arith.constant 0 : i32
    %c0_i32_1 = arith.constant 0 : i32
    return %c0_i32, %c0_i32_0, %arg0 : i32, i32, i32
  }
  func.func @transform_1(%arg0: i32) -> (i32, i32) {
    %c0_i32 = arith.constant 0 : i32
    %c0_i32_0 = arith.constant 0 : i32
    %c0_i32_1 = arith.constant 0 : i32
    return %c0_i32, %c0_i32_0 : i32, i32
  }
  func.func @transform_2(%arg0: i32) -> (i32, i32) {
    %c0_i32 = arith.constant 0 : i32
    %c0_i32_0 = arith.constant 0 : i32
    %c0_i32_1 = arith.constant 0 : i32
    return %c0_i32, %c0_i32_0 : i32, i32
  }
  func.func @transform_3(%arg0: i32) -> (i32, i32, i32) {
    %c0_i32 = arith.constant 0 : i32
    %c0_i32_0 = arith.constant 0 : i32
    %c0_i32_1 = arith.constant 0 : i32
    return %c0_i32, %c0_i32_0, %arg0 : i32, i32, i32
  }
}

</mosaic_0001>

<sc_bundles>
// kernel: kernel.5.cloned.1.call-start
scs
__scs_entry_jumppad:
0x0: {  	(pc) =	sbr.rel $0x88, $3  }
0x1: {  	(tag) =	ssettag $0x0;
	lr =	simm.s32 $0x1  }
0x2: {  	[smem:$0x3F9C] =	sst lr;
	_ =	strace $0xD0000000  }
0x3: {  	_ = 	snop  }
0x4: {  	_ = 	snop  }
0x5: {  	_ = 	snop  }
0x6: {  	_ = 	snop  }
0x7: {  	_ = 	snop  }
__scs_overlays_trampoline_lowered:
0x8: {  	[smem:$0x3FAB] =	sst s0  }
0x9: {  	[smem:$0x3FAC] =	sst s1  }
0xa: {  	[smem:$0x3FAD] =	sst s2  }
0xb: {  	[smem:$0x3FAE] =	sst s3  }
0xc: {  	[smem:$0x3FAF] =	sst s4  }
0xd: {  	[smem:$0x3FB0] =	sst s5  }
0xe: {  	[smem:$0x3FB1] =	sst s6  }
0xf: {  	[smem:$0x3FB2] =	sst s7  }
0x10: {  	[smem:$0x3FB3] =	sst s8  }
0x11: {  	[smem:$0x3FB4] =	sst s9;
	s0 =	simm.s32 @!p0 $0x0  }
0x12: {  	s1 =	sld [smem:$0x3F9A];
	s0 =	simm.s32 @p0 $0x1  }
0x13: {  	[smem:$0x3FB5] =	sst s0;
	s0 =	simm.s32 @!p1 $0x0  }
0x14: {  	s2 =	sld [smem:$0x3F99];
	s0 =	simm.s32 @p1 $0x1  }
0x15: {  	[smem:$0x3FB6] =	sst s0;
	s0 =	simm.s32 @!p2 $0x0  }
0x16: {  	s3 =	sld [smem:$0x3FDB];
	s0 =	simm.s32 @p2 $0x1  }
0x17: {  	s4 =	simm.s32 $0x1BF5;
	[smem:$0x3FB8] =	sst s0  }
0x18: {  	s0 =	sld [smem:$0x3F9B];
	_ =	swait.ge [sflag:s4], $0x0  }
0x19: {  	s7 =	sld [smem:$0x3F9C]  }
0x1a: {  	s8 =	sadd.s32 $0xFFFFE003, lr  }
0x1b: {  	s9 =	sadd.s32 $0xFFFFFEF7, lr;
	s5 =	simm.s32 $0xFFFFFFFF;
	p2 =	slt.u32 s8, $0xFFFFF086  }
0x1c: {  	p1 =	slt.u32 s9, $0xF7A;
	s5 =	simm.s32 @!p2 $0x0  }
0x1d: {  	s5 =	simm.s32 @p1 $0x1;
	p0 =	seq.s32 s7, s2  }
0x1e: {  	s7 =	smul.u32 @!p0 $0xF7A, s2;
	p2 =	seq.s32 @!p0 s5, $0x0  }
0x1f: {  	s9 =	smul.u32 $0xF7A, s1;
	s8 =	simm.s32 @!p0 $0x1BF5;
	p2 =	por !p2, p0  }
0x20: {  	[sflag:s8] =	ssyncset.s32 @!p0 $0xFFFFF086;
	s6 =	sadd.s32 @!p0 s3, s7;
	s7 =	simm.s32 @!p0 $0x108  }
0x21: {  	s3 =	sadd.s32 s3, s9;
	s6 =	sadd.s32 @!p0 $0x88, s6;
	s7 =	simm.s32 @p2 $0x1082  }
0x22: {  	[simem:s7], [sflag:s8] =	dma.local @!p0 [hbm:s6], $0xF7A  }
0x23: {  	s9 =	sor.u32 $0xD0000000, s2;
	s6 =	simm.s32 $0x108;
	_ =	swait.ge @!p0 [sflag:s8], $0x0  }
0x24: {  	s3 =	sadd.s32 $0x88, s3;
	s6 =	simm.s32 @!p1 $0x1082;
	[sflag:s4] =	ssyncset.s32 $0xFFFFF086  }
0x25: {  	[simem:s6], [sflag:s4] =	dma.local [hbm:s3], $0xF7A  }
0x26: {  	[smem:$0x3F9C] =	sst s1;
	(tag) =	ssettag s2;
	_ =	strace s9  }
0x27: {  	s1 =	sld [smem:$0x3FAC]  }
0x28: {  	s2 =	sld [smem:$0x3FAD]  }
0x29: {  	s4 =	sld [smem:$0x3FAF]  }
0x2a: {  	p0 =	seq.s32 s5, $0x0;
	s5 =	sld [smem:$0x3FB0]  }
0x2b: {  	s6 =	sld [smem:$0x3FB1]  }
0x2c: {  	s7 =	sld [smem:$0x3FB2]  }
0x2d: {  	s3 =	simm.s32 $0x108;
	s8 =	sld [smem:$0x3FB3]  }
0x2e: {  	s3 =	simm.s32 @!p0 $0x1082;
	s9 =	sld [smem:$0x3FB4]  }
0x2f: {  	lr =	sadd.s32 s0, s3;
	s0 =	sld [smem:$0x3FAB]  }
0x30: {  	s3 =	sld [smem:$0x3FAE]  }
0x31: {  	[smem:$0x3FB7] =	sst s10  }
0x32: {  	s10 =	sld [smem:$0x3FB5];
	_ =	sdelay $0x3  }
0x33: {  	p0 =	seq.s32 s10, $0x1;
	s10 =	sld [smem:$0x3FB7];
	_ =	sdelay $0x3  }
0x34: {  	[smem:$0x3FB7] =	sst s10  }
0x35: {  	s10 =	sld [smem:$0x3FB6];
	_ =	sdelay $0x3  }
0x36: {  	p1 =	seq.s32 s10, $0x1;
	s10 =	sld [smem:$0x3FB7];
	_ =	sdelay $0x3  }
0x37: {  	[smem:$0x3FB7] =	sst s10  }
0x38: {  	s10 =	sld [smem:$0x3FB8]  }
0x39: {  	_ = 	snop;
	(pc) =	sbr.ind lr, $3  }
0x3a: {  	_ = 	snop  }
0x3b: {  	_ = 	snop  }
0x3c: {  	p2 =	seq.s32 s10, $0x1;
	s10 =	sld [smem:$0x3FB7]  }
0x3d: {  	_ =	shalt  }
0x3e: {  	_ =	shalt  }
0x3f: {  	_ =	shalt  }
0x40: {  	_ =	shalt  }
0x41: {  	_ =	shalt  }
0x42: {  	_ =	shalt  }
0x43: {  	_ =	shalt  }
0x44: {  	_ =	shalt  }
0x45: {  	_ =	shalt  }
0x46: {  	_ =	shalt  }
0x47: {  	_ =	shalt  }
0x48: {  	_ =	shalt  }
0x49: {  	_ =	shalt  }
0x4a: {  	_ =	shalt  }
0x4b: {  	_ =	shalt  }
0x4c: {  	_ =	shalt  }
0x4d: {  	_ =	shalt  }
0x4e: {  	_ =	shalt  }
0x4f: {  	_ =	shalt  }
0x50: {  	_ =	shalt  }
0x51: {  	_ =	shalt  }
0x52: {  	_ =	shalt  }
0x53: {  	_ =	shalt  }
0x54: {  	_ =	shalt  }
0x55: {  	_ =	shalt  }
0x56: {  	_ =	shalt  }
0x57: {  	_ =	shalt  }
0x58: {  	_ =	shalt  }
0x59: {  	_ =	shalt  }
0x5a: {  	_ =	shalt  }
0x5b: {  	_ =	shalt  }
0x5c: {  	_ =	shalt  }
0x5d: {  	_ =	shalt  }
0x5e: {  	_ =	shalt  }
0x5f: {  	_ =	shalt  }
0x60: {  	_ =	shalt  }
0x61: {  	_ =	shalt  }
0x62: {  	_ =	shalt  }
0x63: {  	_ =	shalt  }
0x64: {  	_ =	shalt  }
0x65: {  	_ =	shalt  }
0x66: {  	_ =	shalt  }
0x67: {  	_ =	shalt  }
0x68: {  	_ =	shalt  }
0x69: {  	_ =	shalt  }
0x6a: {  	_ =	shalt  }
0x6b: {  	_ =	shalt  }
0x6c: {  	_ =	shalt  }
0x6d: {  	_ =	shalt  }
0x6e: {  	_ =	shalt  }
0x6f: {  	_ =	shalt  }
0x70: {  	_ =	shalt  }
0x71: {  	_ =	shalt  }
0x72: {  	_ =	shalt  }
0x73: {  	_ =	shalt  }
0x74: {  	_ =	shalt  }
0x75: {  	_ =	shalt  }
0x76: {  	_ =	shalt  }
0x77: {  	_ =	shalt  }
0x78: {  	_ =	shalt  }
0x79: {  	_ =	shalt  }
0x7a: {  	_ =	shalt  }
0x7b: {  	_ =	shalt  }
0x7c: {  	_ =	shalt  }
0x7d: {  	_ =	shalt  }
0x7e: {  	_ =	shalt  }
0x7f: {  	_ =	shalt  }
0x80: {  	_ =	shalt  }
0x81: {  	_ =	shalt  }
0x82: {  	_ =	shalt  }
0x83: {  	_ =	shalt  }
0x84: {  	_ =	shalt  }
0x85: {  	_ =	shalt  }
0x86: {  	_ =	shalt  }
0x87: {  	_ =	shalt  }
.Lfunc_end0:
.L_simem_size_0:
called_computation.2_lowered:
.L_overlay_start_0:
0x88: {  	s2 =	sld [smem:$0x3FD9]  }
0x89: {  	s3 =	sld [smem:$0x3FFE];
	_ =	sdelay $0x1  }
0x8a: {  	s1 =	srdreg.scid  }
0x8b: {  	s0 =	sand.u32 $0x1, s1  }
0x8c: {  	s17 =	sshll.u32 s0, $0xA;
	s2 =	sadd.s32 s3, s2  }
0x8d: {  	s2 =	sadd.s32 s2, s17  }
0x8e: {  	[smem:$0x3FC3] =	sst s2  }
0x8f: {  	_ = 	snop  }
0x90: {  	s2 =	sld [smem:$0x3FC8]  }
0x91: {  	s18 =	sld [smem:$0x3FC7]  }
0x92: {  	s4 =	sld [smem:$0x3FC6]  }
0x93: {  	s5 =	sld [smem:$0x3FC5];
	(tm) =	ssettm $0x1  }
0x94: {  	s6 =	sld [smem:$0x3FFB];
	_ =	sdelay $0x3  }
0x95: {  	_ =	strace s6  }
0x96: {  	s6 =	sld [smem:$0x3FFC];
	_ =	sdelay $0x3  }
0x97: {  	_ =	strace s6  }
0x98: {  	s6 =	sld [smem:$0x3FFD];
	_ =	sdelay $0x3  }
0x99: {  	_ =	strace s6  }
0x9a: {  	_ =	strace $0x8FFFFFFF  }
0x9b: {  	s19 =	sld [smem:$0x3FDB];
	_ =	sdelay $0x1  }
0x9c: {  	s7 =	simm.s32 $_scs_section_size  }
0x9d: {  	s8 =	simm.s32 $_size__tile_overlayer_lowered;
	s9 =	simm.s32 $_tile_overlayer_lowered  }
0x9e: {  	s22 =	simm.s32 $0x1BFF;
	s21 =	sshll.u32 s9, $0x1;
	s6 =	sadd.s32 s7, s19  }
0x9f: {  	s10 =	simm.s32 $0x0;
	s20 =	sshll.u32 s8, $0x1;
	s8 =	sadd.s32 s21, s6  }
0xa0: {  	[timem:s10], [sflag:s22] =	dma.local [hbm:s8], s20  }
0xa1: {  	_ =	swait.ge [sflag:s22], s20  }
0xa2: {  	s7 =	ssub.s32 $0x0, s20;
	[sflag:s22] =	ssyncset.done $0x0  }
0xa3: {  	[sflag:s22] =	ssyncadd.s32 s7;
	_ =	sdelay $0x1  }
0xa4: {  	s23 =	simm.s32 $0x1B8B  }
0xa5: {  	_ =	swait.ge [sflag:s23], $0x1  }
0xa6: {  	[sflag:s23] =	ssyncset.done $0x0  }
0xa7: {  	s25 =	simm.s32 $0x1B8E;
	s24 =	sld [smem:$0x3FFE];
	[sflag:s23] =	ssyncadd.s32 $0xFFFFFFFF  }
0xa8: {  	s26 =	simm.s32 $execute0_lowered;
	[smem:$0x3FD2] =	sst s25  }
0xa9: {  	s8 =	sshll.u32 s26, $0x1;
	_ =	strace $0x80000049;
	[dreg:$0x1] =	wrdreg $0xFFFFFFFF  }
0xaa: {  	s28 =	simm.s32 $_size_execute0_lowered;
	s6 =	sadd.s32 s6, s8;
	[dreg:$0x0] =	wrdreg $0x0  }
0xab: {  	s8 =	sshll.u32 s28, $0x1;
	[dreg:$0x2] =	wrdreg s6  }
0xac: {  	[dreg:$0x3] =	wrdreg s8  }
0xad: {  	[dreg:$0x4] =	wrdreg $0xC0  }
0xae: {  	_ =	task [dreg:s10], $0x5FFFF  }
0xaf: {  	[dreg:$0x1] =	wrdreg $0xFFFFFFFF  }
0xb0: {  	[dreg:$0x0] =	wrdreg $0x60  }
0xb1: {  	[dreg:$0x2] =	wrdreg s24  }
0xb2: {  	[dreg:$0x3] =	wrdreg s2  }
0xb3: {  	[dreg:$0x4] =	wrdreg s18  }
0xb4: {  	[dreg:$0x5] =	wrdreg s4  }
0xb5: {  	[dreg:$0x6] =	wrdreg s5  }
0xb6: {  	[dreg:$0x7] =	wrdreg $0x12000  }
0xb7: {  	[dreg:$0x8] =	wrdreg $0x9  }
0xb8: {  	_ =	task.clear_ibuf [dreg:s10], $0x9FFFF;
	_ =	strace $0x90000049  }
0xb9: {  	s29 =	simm.s32 $0x9;
	_ =	strace $0x8000004B  }
0xba: {  	_ =	swait.ge [sflag:s29], $0x1  }
0xbb: {  	[sflag:s29] =	ssyncadd.s32 $0xFFFFFFFF  }
0xbc: {  	_ =	strace $0x9000004B  }
0xbd: {  	_ =	sfence  }
0xbe: {  	s30 =	sld [smem:$0x0];
	_ =	sdelay $0x2  }
0xbf: {  	s31 =	sshll.u32 s1, $0xD;
	s1 =	sshrl.u32 s1, $0x2  }
0xc0: {  	s3 =	sand.u32 $0x4000, s31;
	s1 =	sadd.s32 s1, s30  }
0xc1: {  	s0 =	sor.u32 s3, s0;
	s1 =	sshll.u32 s1, $0x11  }
0xc2: {  	s0 =	sor.u32 s1, s0  }
0xc3: {  	s0 =	sadd.s32 $0x8F2B, s0  }
0xc4: {  	[sflag:s0] =	ssyncadd.remote.s32 $0x1  }
0xc5: {  	_ =	sfence.sel $0xFFFF  }
0xc6: {  	[dreg:$0x0] =	wrdreg $0xFFFFFFFF;
	(pc) =	sbr.abs _section_cstart, $3  }
0xc7: {  	[dreg:$0x1] =	wrdreg $0xFFFFFFFF  }
0xc8: {  	_ =	task.clear_ibuf [dreg:s10], $0x2FFFF;
	_ =	strace $0x9FFFFFFF  }
0xc9: {  	(tm) =	ssettm $0x7FFFFFFF  }
tec
execute0_lowered:
.L_overlay_start_1:
0x0: {  	(tag) =	ssettag $0x1  }
0x1: {  	s2 =	rddreg [dreg:$0x0];
	s1 =	srdreg.scid  }
0x2: {  	s3 =	rddreg [dreg:$0x1];
	s1 =	sand.u32 $0x1, s1  }
0x3: {  	s7 =	rddreg [dreg:$0x2];
	p0 =	seq.s32 s1, $0x1  }
.Ltmp0:
0x4: {  	s6 =	rddreg [dreg:$0x3];
	(pc) =	sbr.rel @p0 .LBB2_10-.Ltmp0, $4  }
0x5: {  	s5 =	rddreg [dreg:$0x4]  }
0x6: {  	s4 =	rddreg [dreg:$0x5];
	s8 =	simm.s32 $0x0  }
0x7: {  	[smem:$0x7FF] =	sst s8  }
0x8: {  	s0 =	rddreg [dreg:$0x6];
	_ =	strace $0x8000004A;
	s1 =	stileid.u32  }
0x9: {  	s9 =	sshll.u32 s1, $0x4  }
0xa: {  	s12 =	sshll.u32 s1, $0x7;
	s9 =	sand.u32 $0x70, s9  }
0xb: {  	s29 =	simm.s32 $0x80;
	s28 =	sand.u32 $0x400, s12;
	s3 =	sadd.s32 s3, s9  }
0xc: {  	s10 =	simm.s32 $0x400;
	s30 =	simm.s32 $0x1;
	s3 =	sadd.s32 s28, s3  }
0xd: {  	[tilespmem:s8], [sflag:$0x1] =	stream.strided.gather [hbm4b:s3+s29], $0x400, s10, s29, $0x38;
	[tilespmem:$0x1210] =	vst v63  }
0xe: {  	_ =	swait.ge [sflag:s30], $0x400  }
0xf: {  	[sflag:s30] =	ssyncset.done $0x0  }
0x10: {  	s31 =	sadd.s32 $0x1600, s2;
	s11 =	simm.s32 $0x100;
	[sflag:s30] =	ssyncadd.s32 $0xFFFFFC00  }
0x11: {  	[tilespmem:s10], [sflag:$0x1] =	stream.strided.gather [hbm4b:s31+s29], $0x400, s11, s29, $0x38;
	[tilespmem:$0x1210] =	vst v63  }
0x12: {  	_ =	swait.ge [sflag:s30], $0x400  }
0x13: {  	[sflag:s30] =	ssyncset.done $0x0  }
0x14: {  	s13 =	simm.s32 $0x0;
	s9 =	sadd.s32 $0x1610, s2;
	[sflag:s30] =	ssyncadd.s32 $0xFFFFFC00  }
0x15: {  	s8 =	sadd.s32 s12, s4;
	s3 =	sadd.s32 $0x1810, s2;
	s12 =	simm.s32 $0x40;
	v0 =	vld [tilespmem:s13+$0x0]  }
0x16: {  	v1 =	vimm.f32 $0.0e+00;
	s11 =	sadd.s32 $0x1800, s2;
	s10 =	sadd.s32 $0x1A00, s2;
	s2 =	sadd.s32 $0x1A10, s2;
	v2 =	vld [tilespmem:s13+$0x400]  }
.LBB2_2:
0x17: {  	_ = 	snop  }
0x18: {  	p0 =	sne.s32 s12, $0xFC0  }
.Ltmp1:
0x19: {  	_ = 	snop;
	(pc) =	sbr.rel @p0 .LBB2_2-.Ltmp1, $4  }
0x1a: {  	_ = 	snop  }
0x1b: {  	s13 =	sshra.s32 s12, $0x2;
	v3 =	vmul.f32 v2, v0  }
0x1c: {  	v0 =	vld [tilespmem:s13+$0x0]  }
0x1d: {  	s12 =	sadd.s32 $0x40, s12;
	v2 =	vld [tilespmem:s13+$0x400];
	v1 =	vadd.f32 v3, v1  }
0x1e: {  	_ =	sdelay $0x3  }
0x1f: {  	v0 =	vmul.f32 v2, v0;
	_ =	sdelay $0x1  }
0x20: {  	v0 =	vadd.f32 v0, v1;
	_ =	sdelay $0x1  }
0x21: {  	(xrf2) =	vadd.scan.msk.f32 $0xffff, v0;
	_ =	sdelay $0x9  }
0x22: {  	v0, _, _ =	vpop (xrf2)  }
0x23: {  	v0 =	vbroadcast v0, $0xF;
	_ =	sdelay $0x1  }
0x24: {  	s13 =	simm.s32 $0x800;
	s12 =	simm.s32 $0x2;
	p0 =	sne.s32 s1, $0x0;
	[tilespmem:$0x800] =	vst v0  }
0x25: {  	[spmem:s8] =	stream.linear.scatter [tilespmem:s13], [sflag:$0x2], $0x80, $0x38;
	[tilespmem:$0x1210] =	vst v63  }
.Ltmp2:
0x26: {  	_ =	swait.ge [sflag:s12], $0x80;
	(pc) =	sbr.rel @p0 .LBB2_5-.Ltmp2, $3  }
0x27: {  	[sflag:s12] =	ssyncset.done $0x0  }
0x28: {  	[sflag:s12] =	ssyncadd.s32 $0xFFFFFF80  }
0x29: {  	[bflag:$0x0] =	sbarrier.arrive $0xFFFF;
	_ =	sdelay $0x1  }
0x2a: {  	s14 =	simm.s32 $0x0;
	s15 =	simm.s32 $0x1080;
	s28 =	simm.s32 $0x1  }
0x2b: {  	[tilespmem:s15], [sflag:$0x1] =	stream.linear.gather [hbm4b:s7+s14], $0x80, $0x38;
	[tilespmem:$0x1210] =	vst v63  }
0x2c: {  	_ =	swait.ge [sflag:s28], $0x80  }
0x2d: {  	[sflag:s28] =	ssyncset.done $0x0  }
0x2e: {  	s16 =	simm.s32 $0x1100;
	[sflag:s28] =	ssyncadd.s32 $0xFFFFFF80  }
0x2f: {  	[tilespmem:s16], [sflag:$0x1] =	stream.linear.gather [hbm4b:s6+s14], $0x80, $0x38;
	[tilespmem:$0x1210] =	vst v63  }
0x30: {  	_ =	swait.ge [sflag:s28], $0x80  }
0x31: {  	[sflag:s28] =	ssyncset.done $0x0  }
0x32: {  	s29 =	simm.s32 $0x1180;
	[sflag:s28] =	ssyncadd.s32 $0xFFFFFF80  }
0x33: {  	[tilespmem:s29], [sflag:$0x1] =	stream.linear.gather [hbm4b:s5+s14], $0x80, $0x38;
	[tilespmem:$0x1210] =	vst v63  }
0x34: {  	_ =	swait.ge [sflag:s28], $0x80  }
0x35: {  	[sflag:s28] =	ssyncset.done $0x0  }
0x36: {  	s30 =	simm.s32 $0x880;
	[sflag:s28] =	ssyncadd.s32 $0xFFFFFF80  }
0x37: {  	[tilespmem:s30], [sflag:$0x2] =	stream.linear.gather [spmem:s4], $0x800, $0x38;
	[tilespmem:$0x1210] =	vst v63  }
0x38: {  	_ =	swait.ge [sflag:s12], $0x800  }
0x39: {  	[sflag:s12] =	ssyncset.done $0x0  }
0x3a: {  	[sflag:s12] =	ssyncadd.s32 $0xFFFFF800  }
0x3b: {  	v0 =	vld [tilespmem:$0x880];
	_ =	sdelay $0x1  }
0x3c: {  	v1 =	vld [tilespmem:$0x900];
	_ =	sdelay $0x1  }
0x3d: {  	vm0 =	vmmov $0x1;
	v2 =	vld [tilespmem:$0x980]  }
0x3e: {  	v0 =	vnsel vm0, $0x0, v0  }
0x3f: {  	vm11 =	vcmask $0x308;
	v3 =	vld [tilespmem:$0xA00];
	v0 =	vadd.f32 $0.0e+00, v0  }
0x40: {  	v1 =	vsel vm11, $0x0, v1  }
0x41: {  	vm12 =	vcmask $0x70C;
	v43 =	vld [tilespmem:$0xA80];
	v0 =	vadd.f32 v1, v0  }
0x42: {  	v2 =	vsel vm12, $0x0, v2  }
0x43: {  	vm13 =	vcmask $0xB10;
	v44 =	vld [tilespmem:$0xB00];
	v0 =	vadd.f32 v2, v0  }
0x44: {  	v3 =	vsel vm13, $0x0, v3  }
0x45: {  	vm14 =	vcmask $0xF14;
	v45 =	vld [tilespmem:$0xB80];
	v0 =	vadd.f32 v3, v0  }
0x46: {  	v1 =	vsel vm14, $0x0, v43  }
0x47: {  	vm15 =	vcmask $0x1318;
	v46 =	vld [tilespmem:$0xC00];
	v0 =	vadd.f32 v1, v0  }
0x48: {  	v2 =	vsel vm15, $0x0, v44  }
0x49: {  	vm4 =	vcmask $0x171C;
	v47 =	vld [tilespmem:$0xC80];
	v0 =	vadd.f32 v2, v0  }
0x4a: {  	v3 =	vsel vm4, $0x0, v45  }
0x4b: {  	vm5 =	vcmask $0x1B20;
	v48 =	vld [tilespmem:$0xD00];
	v0 =	vadd.f32 v3, v0  }
0x4c: {  	v1 =	vsel vm5, $0x0, v46  }
0x4d: {  	vm6 =	vcmask $0x1F24;
	v49 =	vld [tilespmem:$0xD80];
	v0 =	vadd.f32 v1, v0  }
0x4e: {  	v2 =	vsel vm6, $0x0, v47  }
0x4f: {  	vm7 =	vcmask $0x2328;
	v50 =	vld [tilespmem:$0xE00];
	v0 =	vadd.f32 v2, v0  }
0x50: {  	v3 =	vsel vm7, $0x0, v48  }
0x51: {  	vm8 =	vcmask $0x272C;
	v51 =	vld [tilespmem:$0xE80];
	v0 =	vadd.f32 v3, v0  }
0x52: {  	v1 =	vsel vm8, $0x0, v49  }
0x53: {  	vm9 =	vcmask $0x2B30;
	v52 =	vld [tilespmem:$0xF00];
	v0 =	vadd.f32 v1, v0  }
0x54: {  	v2 =	vsel vm9, $0x0, v50  }
0x55: {  	vm10 =	vcmask $0x2F34;
	v53 =	vld [tilespmem:$0xF80];
	v0 =	vadd.f32 v2, v0  }
0x56: {  	v3 =	vsel vm10, $0x0, v51  }
0x57: {  	v54 =	vld [tilespmem:$0x1000];
	vm11 =	vcmask $0x3338;
	v0 =	vadd.f32 v3, v0  }
0x58: {  	v1 =	vsel vm11, $0x0, v52  }
0x59: {  	vm12 =	vcmask $0x373C;
	v0 =	vadd.f32 v1, v0  }
0x5a: {  	v55 =	vsel vm12, $0x0, v53  }
0x5b: {  	vm13 =	vmmov $0x7fff;
	v0 =	vadd.f32 v55, v0  }
0x5c: {  	v57 =	vld [tilespmem:$0x1080];
	v56 =	vsel vm13, $0x0, v54  }
0x5d: {  	v0 =	vadd.f32 v56, v0;
	_ =	sdelay $0x1  }
0x5e: {  	v0 =	vmul.f32 $2.441406250e-04, v0;
	_ =	sdelay $0x1  }
0x5f: {  	v0 =	vadd.f32 v0, v57;
	_ =	sdelay $0x1  }
0x60: {  	(xrf0) =	vmax.scan.msk.f32 $0xffff, v0;
	_ =	sdelay $0x5  }
0x61: {  	v58, _, _ =	vpop (xrf0)  }
0x62: {  	v1 =	vbroadcast v58, $0xF  }
0x63: {  	v59 =	vlaneseq.u32  }
0x64: {  	v60 =	vor.u32 $0x80000000, v59;
	vm14 =	vge.f32 v0, v1  }
0x65: {  	v0 =	vnsel vm14, $0x80000010, v60  }
0x66: {  	(xrf0) =	vmin.scan.msk.u32 $0xffff, v0;
	_ =	sdelay $0x5  }
0x67: {  	v0, _, _ =	vpop (xrf0)  }
0x68: {  	(v2sf) =	vpush v0, $0xF;
	_ =	sdelay $0xd  }
0x69: {  	v61 =	vld [tilespmem:$0x1100]  }
0x6a: {  	s31 =	spop (v2sf)  }
0x6b: {  	s15 =	sxor.u32 $0x80000000, s31  }
0x6c: {  	v62 =	vmov s15  }
0x6d: {  	vm15 =	veq.s32 v62, v59  }
0x6e: {  	v0 =	vnsel vm15, $0x0, v61  }
0x6f: {  	[tilespmem:$0x800] =	vst v0  }
0x70: {  	[hbm4b:s11+s14] =	stream.linear.scatter [tilespmem:s13], [sflag:$0x2], $0x80, $0x38;
	[tilespmem:$0x1210] =	vst v63  }
0x71: {  	_ =	swait.ge [sflag:s12], $0x80  }
0x72: {  	[sflag:s12] =	ssyncset.done $0x0  }
0x73: {  	[sflag:s12] =	ssyncadd.s32 $0xFFFFFF80  }
0x74: {  	v63 =	vld [tilespmem:$0x1180];
	_ =	sdelay $0x4  }
0x75: {  	v0 =	vnsel vm15, $0x0, v63  }
0x76: {  	[tilespmem:$0x800] =	vst v0  }
0x77: {  	[hbm4b:s10+s14] =	stream.linear.scatter [tilespmem:s13], [sflag:$0x2], $0x80, $0x38;
	[tilespmem:$0x1210] =	vst v63  }
0x78: {  	_ =	swait.ge [sflag:s12], $0x80  }
0x79: {  	[sflag:s12] =	ssyncset.done $0x0  }
0x7a: {  	[sflag:s12] =	ssyncadd.s32 $0xFFFFFF80  }
.LBB2_5:
0x7b: {  	[bflag:$0x0] =	sbarrier.arrive $0xFFFF;
	s10 =	simm.s32 $0x80  }
0x7c: {  	s11 =	simm.s32 $0x100;
	s12 =	simm.s32 $0x400;
	s30 =	simm.s32 $0x1  }
0x7d: {  	[tilespmem:s12], [sflag:$0x1] =	stream.strided.gather [hbm4b:s9+s10], $0x400, s11, s10, $0x38;
	[tilespmem:$0x1210] =	vst v63  }
0x7e: {  	_ =	swait.ge [sflag:s30], $0x400  }
0x7f: {  	[sflag:s30] =	ssyncset.done $0x0  }
0x80: {  	s31 =	simm.s32 $0x0;
	[sflag:s30] =	ssyncadd.s32 $0xFFFFFC00  }
0x81: {  	v1 =	vld [tilespmem:s31+$0x0]  }
0x82: {  	v0 =	vimm.f32 $0.0e+00;
	s9 =	simm.s32 $0x40;
	v2 =	vld [tilespmem:s31+$0x400]  }
.LBB2_6:
0x83: {  	_ = 	snop  }
0x84: {  	p1 =	sne.s32 s9, $0xFC0  }
.Ltmp3:
0x85: {  	_ = 	snop;
	(pc) =	sbr.rel @p1 .LBB2_6-.Ltmp3, $4  }
0x86: {  	_ = 	snop  }
0x87: {  	s10 =	sshra.s32 s9, $0x2;
	v3 =	vmul.f32 v2, v1  }
0x88: {  	v1 =	vld [tilespmem:s10+$0x0]  }
0x89: {  	s9 =	sadd.s32 $0x40, s9;
	v2 =	vld [tilespmem:s10+$0x400];
	v0 =	vadd.f32 v3, v0  }
0x8a: {  	_ =	sdelay $0x3  }
0x8b: {  	v1 =	vmul.f32 v2, v1;
	_ =	sdelay $0x1  }
0x8c: {  	v0 =	vadd.f32 v1, v0;
	_ =	sdelay $0x1  }
0x8d: {  	(xrf2) =	vadd.scan.msk.f32 $0xffff, v0;
	_ =	sdelay $0x9  }
0x8e: {  	v0, _, _ =	vpop (xrf2)  }
0x8f: {  	v0 =	vbroadcast v0, $0xF;
	_ =	sdelay $0x1  }
0x90: {  	s9 =	simm.s32 $0x800;
	[tilespmem:$0x800] =	vst v0  }
0x91: {  	[spmem:s8] =	stream.linear.scatter [tilespmem:s9], [sflag:$0x2], $0x80, $0x38;
	[tilespmem:$0x1210] =	vst v63  }
0x92: {  	s8 =	simm.s32 $0x2  }
.Ltmp4:
0x93: {  	_ =	swait.ge [sflag:s8], $0x80;
	(pc) =	sbr.rel @p0 .LBB2_9-.Ltmp4, $3  }
0x94: {  	[sflag:s8] =	ssyncset.done $0x0  }
0x95: {  	[sflag:s8] =	ssyncadd.s32 $0xFFFFFF80  }
0x96: {  	[bflag:$0x0] =	sbarrier.arrive $0xFFFF;
	_ =	sdelay $0x1  }
0x97: {  	s10 =	simm.s32 $0x0;
	s11 =	simm.s32 $0x1080;
	s26 =	simm.s32 $0x1  }
0x98: {  	[tilespmem:s11], [sflag:$0x1] =	stream.linear.gather [hbm4b:s7+s10], $0x80, $0x38;
	[tilespmem:$0x1210] =	vst v63  }
0x99: {  	_ =	swait.ge [sflag:s26], $0x80  }
0x9a: {  	[sflag:s26] =	ssyncset.done $0x0  }
0x9b: {  	s28 =	simm.s32 $0x1100;
	[sflag:s26] =	ssyncadd.s32 $0xFFFFFF80  }
0x9c: {  	[tilespmem:s28], [sflag:$0x1] =	stream.linear.gather [hbm4b:s6+s10], $0x80, $0x38;
	[tilespmem:$0x1210] =	vst v63  }
0x9d: {  	_ =	swait.ge [sflag:s26], $0x80  }
0x9e: {  	[sflag:s26] =	ssyncset.done $0x0  }
0x9f: {  	s29 =	simm.s32 $0x1180;
	[sflag:s26] =	ssyncadd.s32 $0xFFFFFF80  }
0xa0: {  	[tilespmem:s29], [sflag:$0x1] =	stream.linear.gather [hbm4b:s5+s10], $0x80, $0x38;
	[tilespmem:$0x1210] =	vst v63  }
0xa1: {  	_ =	swait.ge [sflag:s26], $0x80  }
0xa2: {  	[sflag:s26] =	ssyncset.done $0x0  }
0xa3: {  	s30 =	simm.s32 $0x880;
	[sflag:s26] =	ssyncadd.s32 $0xFFFFFF80  }
0xa4: {  	[tilespmem:s30], [sflag:$0x2] =	stream.linear.gather [spmem:s4], $0x800, $0x38;
	[tilespmem:$0x1210] =	vst v63  }
0xa5: {  	_ =	swait.ge [sflag:s8], $0x800  }
0xa6: {  	[sflag:s8] =	ssyncset.done $0x0  }
0xa7: {  	[sflag:s8] =	ssyncadd.s32 $0xFFFFF800  }
0xa8: {  	v0 =	vld [tilespmem:$0x880];
	_ =	sdelay $0x1  }
0xa9: {  	v1 =	vld [tilespmem:$0x900];
	_ =	sdelay $0x1  }
0xaa: {  	vm0 =	vmmov $0x1;
	v2 =	vld [tilespmem:$0x980]  }
0xab: {  	v0 =	vnsel vm0, $0x0, v0  }
0xac: {  	vm11 =	vcmask $0x308;
	v3 =	vld [tilespmem:$0xA00];
	v0 =	vadd.f32 $0.0e+00, v0  }
0xad: {  	v1 =	vsel vm11, $0x0, v1  }
0xae: {  	vm12 =	vcmask $0x70C;
	v43 =	vld [tilespmem:$0xA80];
	v0 =	vadd.f32 v1, v0  }
0xaf: {  	v2 =	vsel vm12, $0x0, v2  }
0xb0: {  	vm13 =	vcmask $0xB10;
	v44 =	vld [tilespmem:$0xB00];
	v0 =	vadd.f32 v2, v0  }
0xb1: {  	v3 =	vsel vm13, $0x0, v3  }
0xb2: {  	vm14 =	vcmask $0xF14;
	v45 =	vld [tilespmem:$0xB80];
	v0 =	vadd.f32 v3, v0  }
0xb3: {  	v1 =	vsel vm14, $0x0, v43  }
0xb4: {  	vm15 =	vcmask $0x1318;
	v46 =	vld [tilespmem:$0xC00];
	v0 =	vadd.f32 v1, v0  }
0xb5: {  	v2 =	vsel vm15, $0x0, v44  }
0xb6: {  	vm4 =	vcmask $0x171C;
	v47 =	vld [tilespmem:$0xC80];
	v0 =	vadd.f32 v2, v0  }
0xb7: {  	v3 =	vsel vm4, $0x0, v45  }
0xb8: {  	vm5 =	vcmask $0x1B20;
	v48 =	vld [tilespmem:$0xD00];
	v0 =	vadd.f32 v3, v0  }
0xb9: {  	v1 =	vsel vm5, $0x0, v46  }
0xba: {  	vm6 =	vcmask $0x1F24;
	v49 =	vld [tilespmem:$0xD80];
	v0 =	vadd.f32 v1, v0  }
0xbb: {  	v2 =	vsel vm6, $0x0, v47  }
0xbc: {  	vm7 =	vcmask $0x2328;
	v50 =	vld [tilespmem:$0xE00];
	v0 =	vadd.f32 v2, v0  }
0xbd: {  	v3 =	vsel vm7, $0x0, v48  }
0xbe: {  	vm8 =	vcmask $0x272C;
	v51 =	vld [tilespmem:$0xE80];
	v0 =	vadd.f32 v3, v0  }
0xbf: {  	v1 =	vsel vm8, $0x0, v49  }
0xc0: {  	vm9 =	vcmask $0x2B30;
	v52 =	vld [tilespmem:$0xF00];
	v0 =	vadd.f32 v1, v0  }
0xc1: {  	v2 =	vsel vm9, $0x0, v50  }
0xc2: {  	vm10 =	vcmask $0x2F34;
	v53 =	vld [tilespmem:$0xF80];
	v0 =	vadd.f32 v2, v0  }
0xc3: {  	v3 =	vsel vm10, $0x0, v51  }
0xc4: {  	v54 =	vld [tilespmem:$0x1000];
	vm11 =	vcmask $0x3338;
	v0 =	vadd.f32 v3, v0  }
0xc5: {  	v1 =	vsel vm11, $0x0, v52  }
0xc6: {  	vm12 =	vcmask $0x373C;
	v0 =	vadd.f32 v1, v0  }
0xc7: {  	v55 =	vsel vm12, $0x0, v53  }
0xc8: {  	vm13 =	vmmov $0x7fff;
	v0 =	vadd.f32 v55, v0  }
0xc9: {  	v57 =	vld [tilespmem:$0x1080];
	v56 =	vsel vm13, $0x0, v54  }
0xca: {  	v0 =	vadd.f32 v56, v0;
	_ =	sdelay $0x1  }
0xcb: {  	v0 =	vmul.f32 $2.441406250e-04, v0;
	_ =	sdelay $0x1  }
0xcc: {  	v0 =	vadd.f32 v0, v57;
	_ =	sdelay $0x1  }
0xcd: {  	(xrf0) =	vmax.scan.msk.f32 $0xffff, v0;
	_ =	sdelay $0x5  }
0xce: {  	v58, _, _ =	vpop (xrf0)  }
0xcf: {  	v1 =	vbroadcast v58, $0xF  }
0xd0: {  	v59 =	vlaneseq.u32  }
0xd1: {  	v60 =	vor.u32 $0x80000000, v59;
	vm14 =	vge.f32 v0, v1  }
0xd2: {  	v0 =	vnsel vm14, $0x80000010, v60  }
0xd3: {  	(xrf0) =	vmin.scan.msk.u32 $0xffff, v0;
	_ =	sdelay $0x5  }
0xd4: {  	v0, _, _ =	vpop (xrf0)  }
0xd5: {  	(v2sf) =	vpush v0, $0xF;
	_ =	sdelay $0xd  }
0xd6: {  	v61 =	vld [tilespmem:$0x1100]  }
0xd7: {  	s31 =	spop (v2sf)  }
0xd8: {  	s4 =	sxor.u32 $0x80000000, s31  }
0xd9: {  	v62 =	vmov s4  }
0xda: {  	vm15 =	veq.s32 v62, v59  }
0xdb: {  	v0 =	vnsel vm15, $0x0, v61  }
0xdc: {  	[tilespmem:$0x800] =	vst v0  }
0xdd: {  	[hbm4b:s3+s10] =	stream.linear.scatter [tilespmem:s9], [sflag:$0x2], $0x80, $0x38;
	[tilespmem:$0x1210] =	vst v63  }
0xde: {  	_ =	swait.ge [sflag:s8], $0x80  }
0xdf: {  	[sflag:s8] =	ssyncset.done $0x0  }
0xe0: {  	[sflag:s8] =	ssyncadd.s32 $0xFFFFFF80  }
0xe1: {  	v63 =	vld [tilespmem:$0x1180];
	_ =	sdelay $0x4  }
0xe2: {  	v0 =	vnsel vm15, $0x0, v63  }
0xe3: {  	[tilespmem:$0x800] =	vst v0  }
0xe4: {  	[hbm4b:s2+s10] =	stream.linear.scatter [tilespmem:s9], [sflag:$0x2], $0x80, $0x38;
	[tilespmem:$0x1210] =	vst v63  }
0xe5: {  	_ =	swait.ge [sflag:s8], $0x80  }
0xe6: {  	[sflag:s8] =	ssyncset.done $0x0  }
0xe7: {  	[sflag:s8] =	ssyncadd.s32 $0xFFFFFF80  }
.LBB2_9:
0xe8: {  	[bflag:$0x0] =	sbarrier.arrive $0xFFFF  }
.LBB2_10:
0xe9: {  	_ =	sfence.sel $0x180000  }
0xea: {  	[bflag:$0x0] =	sbarrier.arrive $0xFFFF  }
0xeb: {  	p0 =	sne.s32 s1, $0x0;
	_ =	strace $0x9000004A  }
0xec: {  	s0 =	sadd.s32 @!p0 $0x100000, s0;
	[bflag:$0x2] =	sbarrier.arrive $0xFFFF  }
0xed: {  	[sflag:s0] =	ssyncadd.tile.s32 @!p0 $0x1;
	_ =	shalt  }
.Lfunc_end2:
_tile_overlayer_lowered:
.L_overlay_start_2:
0xee: {  	(tag) =	ssettag $0x2  }
0xef: {  	s0 =	rddreg [dreg:$0x0];
	s2 =	stileid.u32  }
0xf0: {  	s1 =	rddreg [dreg:$0x1];
	p0 =	sne.s32 s2, $0x0  }
0xf1: {  	s3 =	rddreg [dreg:$0x2];
	[bflag:$0x3] =	sbarrier.arrive $0xFFFF;
	s2 =	simm.s32 @!p0 $0x1C02  }
0xf2: {  	[timem:s3], [sflag:s2] =	dma.local @!p0 [hbm:s0], s1  }
0xf3: {  	s0 =	simm.s32 @!p0 $0x2  }
0xf4: {  	_ =	swait.ge @!p0 [sflag:s0], s1  }
0xf5: {  	s1 =	ssub.s32 @!p0 $0x0, s1;
	[sflag:s0] =	ssyncset.done @!p0 $0x0  }
0xf6: {  	[sflag:s0] =	ssyncadd.s32 @!p0 s1  }
0xf7: {  	[bflag:$0x3] =	sbarrier.arrive $0xFFFF  }
0xf8: {  	_ =	shalt  }

// kernel: sparse-core-data-format-call.1.cloned.1.call-start
scs
called_computation.1_lowered:
.L_overlay_start_0:
0x0: {  	s2 =	sld [smem:$0x3FD9]  }
0x1: {  	s3 =	sld [smem:$0x3FFE];
	_ =	sdelay $0x1  }
0x2: {  	s1 =	srdreg.scid  }
0x3: {  	s0 =	sand.u32 $0x1, s1  }
0x4: {  	s19 =	sshll.u32 s0, $0xA;
	s2 =	sadd.s32 s3, s2  }
0x5: {  	s2 =	sadd.s32 s2, s19  }
0x6: {  	[smem:$0x3FC3] =	sst s2  }
0x7: {  	_ = 	snop  }
0x8: {  	s2 =	sld [smem:$0x3FC9]  }
0x9: {  	s20 =	sld [smem:$0x3FD0];
	(tm) =	ssettm $0x1  }
0xa: {  	s4 =	sld [smem:$0x3FFB];
	_ =	sdelay $0x3  }
0xb: {  	_ =	strace s4  }
0xc: {  	s4 =	sld [smem:$0x3FFC];
	_ =	sdelay $0x3  }
0xd: {  	_ =	strace s4  }
0xe: {  	s4 =	sld [smem:$0x3FFD];
	_ =	sdelay $0x3  }
0xf: {  	_ =	strace s4  }
0x10: {  	_ =	strace $0x8FFFFFFF  }
0x11: {  	s21 =	sld [smem:$0x3FDB];
	_ =	sdelay $0x1  }
0x12: {  	s5 =	simm.s32 $_scs_section_size  }
0x13: {  	s6 =	simm.s32 $_size__tile_overlayer_lowered;
	s7 =	simm.s32 $_tile_overlayer_lowered  }
0x14: {  	s24 =	simm.s32 $0x1BFF;
	s23 =	sshll.u32 s7, $0x1;
	s4 =	sadd.s32 s5, s21  }
0x15: {  	s8 =	simm.s32 $0x0;
	s22 =	sshll.u32 s6, $0x1;
	s6 =	sadd.s32 s23, s4  }
0x16: {  	[timem:s8], [sflag:s24] =	dma.local [hbm:s6], s22  }
0x17: {  	_ =	swait.ge [sflag:s24], s22  }
0x18: {  	s5 =	ssub.s32 $0x0, s22;
	[sflag:s24] =	ssyncset.done $0x0  }
0x19: {  	[sflag:s24] =	ssyncadd.s32 s5;
	_ =	sdelay $0x1  }
0x1a: {  	s25 =	simm.s32 $0x1B8B  }
0x1b: {  	_ =	swait.ge [sflag:s25], $0x1  }
0x1c: {  	[sflag:s25] =	ssyncset.done $0x0  }
0x1d: {  	s26 =	simm.s32 $0x1B8E;
	[sflag:s25] =	ssyncadd.s32 $0xFFFFFFFF  }
0x1e: {  	s27 =	simm.s32 $execute0_lowered;
	[smem:$0x3FD2] =	sst s26  }
0x1f: {  	s5 =	sshll.u32 s27, $0x1;
	_ =	strace $0x80000046;
	[dreg:$0x1] =	wrdreg $0xFFFFFFFF  }
0x20: {  	s28 =	simm.s32 $_size_execute0_lowered;
	s4 =	sadd.s32 s4, s5;
	[dreg:$0x0] =	wrdreg $0x0  }
0x21: {  	s5 =	sshll.u32 s28, $0x1;
	[dreg:$0x2] =	wrdreg s4  }
0x22: {  	[dreg:$0x3] =	wrdreg s5  }
0x23: {  	[dreg:$0x4] =	wrdreg $0xC0  }
0x24: {  	_ =	task [dreg:s8], $0x5FFFF  }
0x25: {  	[dreg:$0x1] =	wrdreg $0xFFFFFFFF  }
0x26: {  	[dreg:$0x0] =	wrdreg $0x60  }
0x27: {  	[dreg:$0x2] =	wrdreg s2  }
0x28: {  	[dreg:$0x3] =	wrdreg s20  }
0x29: {  	[dreg:$0x4] =	wrdreg $0x9  }
0x2a: {  	_ =	task.clear_ibuf [dreg:s8], $0x5FFFF;
	_ =	strace $0x90000046  }
0x2b: {  	s29 =	simm.s32 $0x9;
	_ =	strace $0x80000048  }
0x2c: {  	_ =	swait.ge [sflag:s29], $0x1  }
0x2d: {  	[sflag:s29] =	ssyncadd.s32 $0xFFFFFFFF  }
0x2e: {  	_ =	strace $0x90000048  }
0x2f: {  	_ =	sfence  }
0x30: {  	s30 =	sld [smem:$0x0];
	_ =	sdelay $0x2  }
0x31: {  	s31 =	sshll.u32 s1, $0xD;
	s1 =	sshrl.u32 s1, $0x2  }
0x32: {  	s3 =	sand.u32 $0x4000, s31;
	s1 =	sadd.s32 s1, s30  }
0x33: {  	s0 =	sor.u32 s3, s0;
	s1 =	sshll.u32 s1, $0x11  }
0x34: {  	s0 =	sor.u32 s1, s0  }
0x35: {  	s0 =	sadd.s32 $0x8F2B, s0  }
0x36: {  	[sflag:s0] =	ssyncadd.remote.s32 $0x1  }
0x37: {  	_ =	sfence.sel $0xFFFF  }
0x38: {  	[dreg:$0x0] =	wrdreg $0xFFFFFFFF;
	(pc) =	sbr.abs _section_cstart, $3  }
0x39: {  	[dreg:$0x1] =	wrdreg $0xFFFFFFFF  }
0x3a: {  	_ =	task.clear_ibuf [dreg:s8], $0x2FFFF;
	_ =	strace $0x9FFFFFFF  }
0x3b: {  	(tm) =	ssettm $0x7FFFFFFF  }
tec
execute0_lowered:
.L_overlay_start_1:
0x0: {  	(tag) =	ssettag $0x1  }
0x1: {  	s0 =	stileid.u32;
	s3 =	rddreg [dreg:$0x0]  }
0x2: {  	s1 =	srdreg.scid;
	s5 =	rddreg [dreg:$0x1];
	s31 =	simm.s32 $0x2  }
0x3: {  	s14 =	simm.s32 $0x0;
	s2 =	sshll.u32 s0, $0x2;
	s1 =	sshll.u32 s1, $0x6  }
0x4: {  	s9 =	simm.s32 $0x0;
	s2 =	sor.u32 s2, s1;
	s1 =	sand.u32 $0x1, s0  }
0x5: {  	s16 =	simm.s32 $0x0;
	s2 =	sand.u32 $0x78, s2;
	s4 =	ssub.s32 $0x2, s1  }
0x6: {  	s15 =	simm.s32 $0x0;
	s6 =	ssub.s32 $0x400, s2;
	s8 =	sshll.u32 s4, $0x1  }
0x7: {  	s10 =	simm.s32 $0x0;
	s7 =	sand.u32 $0x78, s6;
	s8 =	sand.u32 $0x2, s8  }
0x8: {  	s6 =	sshrl.u32 s6, $0x7;
	p0 =	sne.s32 s7, $0x0;
	s7 =	simm.s32 $0x1  }
.Ltmp0:
0x9: {  	s8 =	sadd.s32 s8, s4;
	s7 =	simm.s32 @!p0 $0x0;
	(pc) =	sbr.rel .LBB1_1-.Ltmp0, $4  }
0xa: {  	s4 =	rddreg [dreg:$0x2];
	s8 =	sand.u32 $0x6, s8;
	s7 =	sadd.s32 s7, s6  }
0xb: {  	_ =	strace $0x80000047;
	s6 =	simm.s32 $0x1;
	s7 =	smul.u32 s7, s8  }
0xc: {  	s13 =	simm.s32 $0x0;
	s12 =	smov.u32 s1;
	[sflag:s6] =	ssyncpa.u1 $0x0  }
0xd: {  	s11 =	smov.u32 s2;
	[sflag:s31] =	ssyncpa.u1 $0x0;
	s8 =	sor.u32 $0x1, s7  }
.LBB1_7:
0xe: {  	s17 =	sadd.s32 $0x800, s10  }
0xf: {  	s14 =	sadd.s32 $0x80, s11;
	s18 =	smov.u32 s11;
	p1 =	sgt.s32 s17, $0xFFF  }
0x10: {  	s18 =	smov.u32 @p1 s14  }
0x11: {  	s20 =	smov.u32 s12;
	s14 =	sadd.s32 $0x2, s12;
	p2 =	sgt.s32 s18, $0x3FF  }
0x12: {  	s20 =	smov.u32 @p2 s14  }
0x13: {  	s17 =	simm.s32 @p1 $0x0;
	p1 =	sgt.s32 s20, $0x1  }
0x14: {  	p0 =	slt.u32 s13, $0x2;
	s20 =	smov.u32 @p1 s1;
	p1 =	sne.s32 s13, s8  }
.Ltmp1:
0x15: {  	s19 =	simm.s32 @!p0 $0x2;
	(pc) =	sbr.rel @!p1 .LBB1_8-.Ltmp1, $4  }
0x16: {  	s16 =	smov.u32 s11;
	s15 =	smov.u32 s12;
	_ =	swait.ge @!p0 [sflag:s19], $0x4000  }
0x17: {  	s9 =	sadd.s32 $0x4000, s9;
	[sflag:s19] =	ssyncset.done @!p0 $0x0;
	s18 =	smov.u32 @p2 s2  }
0x18: {  	s14 =	smov.u32 s10;
	[sflag:s19] =	ssyncadd.s32 @!p0 $0xFFFFC000;
	s10 =	smov.u32 s17  }
0x19: {  	s11 =	smov.u32 s18;
	s13 =	sadd.s32 $0x1, s13;
	s12 =	smov.u32 s20  }
.LBB1_1:
0x1a: {  	p0 =	sge.u32 s13, s7  }
0x1b: {  	s31 =	sadd.s32 $0xFFFFFFFF, s13;
	s17 =	sxor.u32 @!p0 $0xFFFFFFFF, s13;
	s18 =	sshll.u32 @!p0 s12, $0x13  }
0x1c: {  	s19 =	sshll.u32 @!p0 s11, $0x9;
	s20 =	sshrl.u32 @!p0 s10, $0x3;
	s18 =	sadd.s32 @!p0 s3, s18  }
0x1d: {  	s17 =	sshll.u32 @!p0 s17, $0xE;
	s18 =	sadd.s32 @!p0 s19, s18;
	s19 =	sand.u32 @!p0 $0x7, s10  }
0x1e: {  	s20 =	sand.u32 @!p0 $0x1FF, s20;
	s17 =	sand.u32 @!p0 $0x4000, s17;
	s19 =	sshll.u32 @!p0 s19, $0x12  }
0x1f: {  	s18 =	sadd.s32 @!p0 s20, s18;
	s20 =	simm.s32 @!p0 $0x1000;
	s19 =	sor.u32 @!p0 $0x800, s19  }
0x20: {  	[tilespmem:s17], [sflag:$0x1] =	stream.strided.gather @!p0 [hbm4b:s18+s19], $0x4000, s20, s19, $0x38;
	[tilespmem:$0x10000] =	vst v63  }
0x21: {  	p0 =	sge.u32 s31, s7  }
.Ltmp2:
0x22: {  	_ = 	snop;
	(pc) =	sbr.rel @p0 .LBB1_7-.Ltmp2, $1  }
0x23: {  	_ =	sdelay $0x3  }
0x24: {  	s17 =	sand.u32 $0x4000, s9  }
0x25: {  	_ =	swait.ge [sflag:s6], $0x4000;
	s20 =	sshll.u32 s13, $0xE;
	s18 =	sor.u32 $0x100, s17  }
0x26: {  	s19 =	sor.u32 $0x8800, s17;
	[sflag:s6] =	ssyncset.done $0x0;
	s31 =	sand.u32 $0x4000, s20  }
0x27: {  	s20 =	simm.s32 $0x0;
	[sflag:s6] =	ssyncadd.s32 $0xFFFFC000;
	s17 =	sor.u32 $0x8000, s31  }
.LBB1_3:
0x28: {  	v0 =	vld [tilespmem:s18+$0xF0]  }
0x29: {  	v1 =	vld [tilespmem:s18+$0xFFFFFF10]  }
0x2a: {  	v2 =	vld [tilespmem:s18+$0xFFFFFF20]  }
0x2b: {  	v3 =	vld [tilespmem:s18+$0xFFFFFF30]  }
0x2c: {  	v4 =	vld [tilespmem:s18+$0xFFFFFF40]  }
0x2d: {  	v5 =	vld [tilespmem:s18+$0xFFFFFF50];
	[tilespmem:s19+$0x470] =	vst v0  }
0x2e: {  	[tilespmem:s19+$0xFFFFF810] =	vst v1;
	v0 =	vld [tilespmem:s18+$0xFFFFFF60]  }
0x2f: {  	[tilespmem:s19+$0xFFFFF820] =	vst v2;
	v1 =	vld [tilespmem:s18+$0xFFFFFF70]  }
0x30: {  	[tilespmem:s19+$0xFFFFF830] =	vst v3;
	v2 =	vld [tilespmem:s18+$0xFFFFFF80]  }
0x31: {  	[tilespmem:s19+$0xFFFFF840] =	vst v4;
	v3 =	vld [tilespmem:s18+$0xFFFFFF90]  }
0x32: {  	[tilespmem:s19+$0xFFFFF850] =	vst v5;
	v4 =	vld [tilespmem:s18+$0xFFFFFFA0]  }
0x33: {  	v5 =	vld [tilespmem:s18+$0xA0];
	[tilespmem:s19+$0xFFFFF860] =	vst v0  }
0x34: {  	v0 =	vld [tilespmem:s18+$0xFFFFFFB0];
	[tilespmem:s19+$0xFFFFF870] =	vst v1  }
0x35: {  	v1 =	vld [tilespmem:s18+$0xFFFFFFC0];
	[tilespmem:s19+$0xFFFFFC00] =	vst v2  }
0x36: {  	[tilespmem:s19+$0xFFFFFC10] =	vst v3;
	v3 =	vld [tilespmem:s18+$0xFFFFFFE0]  }
0x37: {  	[tilespmem:s19+$0xFFFFFC20] =	vst v4;
	v4 =	vld [tilespmem:s18+$0xFFFFFFF0]  }
0x38: {  	v2 =	vld [tilespmem:s18+$0xFFFFFFD0];
	[tilespmem:s19+$0x420] =	vst v5  }
0x39: {  	[tilespmem:s19+$0xFFFFFC30] =	vst v0;
	v0 =	vld [tilespmem:s18+$0x0]  }
0x3a: {  	[tilespmem:s19+$0xFFFFFC40] =	vst v1;
	v1 =	vld [tilespmem:s18+$0x10]  }
0x3b: {  	[tilespmem:s19+$0xFFFFFC60] =	vst v3;
	v3 =	vld [tilespmem:s18+$0x30]  }
0x3c: {  	[tilespmem:s19+$0xFFFFFC70] =	vst v4;
	v4 =	vld [tilespmem:s18+$0x40]  }
0x3d: {  	[tilespmem:s19+$0xFFFFFC50] =	vst v2;
	v2 =	vld [tilespmem:s18+$0x20]  }
0x3e: {  	[tilespmem:s19+$0x0] =	vst v0;
	v0 =	vld [tilespmem:s18+$0x50]  }
0x3f: {  	[tilespmem:s19+$0x10] =	vst v1;
	v1 =	vld [tilespmem:s18+$0x60]  }
0x40: {  	[tilespmem:s19+$0x30] =	vst v3;
	v3 =	vld [tilespmem:s18+$0x80]  }
0x41: {  	[tilespmem:s19+$0x40] =	vst v4;
	v4 =	vld [tilespmem:s18+$0x90]  }
0x42: {  	[tilespmem:s19+$0x20] =	vst v2;
	v2 =	vld [tilespmem:s18+$0x70]  }
0x43: {  	[tilespmem:s19+$0x50] =	vst v0;
	v0 =	vld [tilespmem:s18+$0xB0]  }
0x44: {  	[tilespmem:s19+$0x60] =	vst v1;
	v1 =	vld [tilespmem:s18+$0xC0]  }
0x45: {  	[tilespmem:s19+$0x400] =	vst v3;
	v3 =	vld [tilespmem:s18+$0xD0]  }
0x46: {  	[tilespmem:s19+$0x410] =	vst v4;
	v4 =	vld [tilespmem:s18+$0xE0]  }
0x47: {  	s22 =	simm.s32 $0x0;
	s23 =	sadd.s32 $0x200, s18;
	s21 =	smov.u32 s19;
	[tilespmem:s19+$0x70] =	vst v2;
	v2 =	vld [tilespmem:s18+$0xFFFFFF00]  }
.LBB1_4:
0x48: {  	v5 =	vld [tilespmem:s23+$0xF0];
	s22 =	sadd.s32 $0x200, s22;
	[tilespmem:s21+$0x430] =	vst v0  }
0x49: {  	v0 =	vld [tilespmem:s23+$0xFFFFFF10];
	p0 =	slt.u32 s22, $0x600;
	[tilespmem:s21+$0x440] =	vst v1  }
0x4a: {  	v1 =	vld [tilespmem:s23+$0xFFFFFF20];
	[tilespmem:s21+$0x450] =	vst v3  }
0x4b: {  	v3 =	vld [tilespmem:s23+$0xFFFFFF30];
	[tilespmem:s21+$0x460] =	vst v4  }
0x4c: {  	v4 =	vld [tilespmem:s23+$0xFFFFFF40];
	[tilespmem:s21+$0xFFFFF800] =	vst v2;
	s21 =	sadd.s32 $0x1000, s21  }
0x4d: {  	v2 =	vld [tilespmem:s23+$0xFFFFFF50];
	[tilespmem:s21+$0x470] =	vst v5  }
0x4e: {  	[tilespmem:s21+$0xFFFFF810] =	vst v0;
	v0 =	vld [tilespmem:s23+$0xFFFFFF60]  }
0x4f: {  	[tilespmem:s21+$0xFFFFF820] =	vst v1;
	v1 =	vld [tilespmem:s23+$0xFFFFFF70]  }
0x50: {  	[tilespmem:s21+$0xFFFFF830] =	vst v3;
	v3 =	vld [tilespmem:s23+$0xFFFFFF80]  }
0x51: {  	[tilespmem:s21+$0xFFFFF840] =	vst v4;
	v4 =	vld [tilespmem:s23+$0xFFFFFF90]  }
0x52: {  	[tilespmem:s21+$0xFFFFF850] =	vst v2;
	v2 =	vld [tilespmem:s23+$0xFFFFFFA0]  }
0x53: {  	[tilespmem:s21+$0xFFFFF860] =	vst v0;
	v0 =	vld [tilespmem:s23+$0xFFFFFFB0]  }
0x54: {  	[tilespmem:s21+$0xFFFFF870] =	vst v1;
	v1 =	vld [tilespmem:s23+$0xFFFFFFC0]  }
0x55: {  	[tilespmem:s21+$0xFFFFFC00] =	vst v3;
	v3 =	vld [tilespmem:s23+$0xFFFFFFD0]  }
0x56: {  	[tilespmem:s21+$0xFFFFFC10] =	vst v4;
	v4 =	vld [tilespmem:s23+$0xFFFFFFE0]  }
0x57: {  	[tilespmem:s21+$0xFFFFFC20] =	vst v2;
	v2 =	vld [tilespmem:s23+$0xFFFFFFF0]  }
0x58: {  	[tilespmem:s21+$0xFFFFFC30] =	vst v0;
	v0 =	vld [tilespmem:s23+$0x0]  }
0x59: {  	[tilespmem:s21+$0xFFFFFC40] =	vst v1;
	v1 =	vld [tilespmem:s23+$0x10]  }
0x5a: {  	[tilespmem:s21+$0xFFFFFC50] =	vst v3;
	v3 =	vld [tilespmem:s23+$0x20]  }
0x5b: {  	[tilespmem:s21+$0xFFFFFC60] =	vst v4;
	v4 =	vld [tilespmem:s23+$0x30]  }
0x5c: {  	[tilespmem:s21+$0xFFFFFC70] =	vst v2;
	v2 =	vld [tilespmem:s23+$0x40]  }
0x5d: {  	[tilespmem:s21+$0x0] =	vst v0;
	v0 =	vld [tilespmem:s23+$0x50]  }
0x5e: {  	[tilespmem:s21+$0x10] =	vst v1;
	v1 =	vld [tilespmem:s23+$0x60]  }
0x5f: {  	[tilespmem:s21+$0x20] =	vst v3;
	v3 =	vld [tilespmem:s23+$0x70]  }
0x60: {  	[tilespmem:s21+$0x30] =	vst v4;
	v4 =	vld [tilespmem:s23+$0x80]  }
0x61: {  	[tilespmem:s21+$0x40] =	vst v2;
	v2 =	vld [tilespmem:s23+$0x90]  }
0x62: {  	[tilespmem:s21+$0x50] =	vst v0;
	v5 =	vld [tilespmem:s23+$0xA0]  }
.Ltmp3:
0x63: {  	[tilespmem:s21+$0x60] =	vst v1;
	v0 =	vld [tilespmem:s23+$0xB0];
	(pc) =	sbr.rel @p0 .LBB1_4-.Ltmp3, $4  }
0x64: {  	[tilespmem:s21+$0x70] =	vst v3;
	v1 =	vld [tilespmem:s23+$0xC0]  }
0x65: {  	[tilespmem:s21+$0x400] =	vst v4;
	v3 =	vld [tilespmem:s23+$0xD0]  }
0x66: {  	[tilespmem:s21+$0x410] =	vst v2;
	v4 =	vld [tilespmem:s23+$0xE0]  }
0x67: {  	v2 =	vld [tilespmem:s23+$0xFFFFFF00];
	[tilespmem:s21+$0x420] =	vst v5;
	s23 =	sadd.s32 $0x200, s23  }
0x68: {  	s20 =	sadd.s32 $0x1, s20  }
0x69: {  	p0 =	sne.s32 s20, $0x8  }
.Ltmp4:
0x6a: {  	[tilespmem:s21+$0x430] =	vst v0;
	(pc) =	sbr.rel @p0 .LBB1_3-.Ltmp4, $4  }
0x6b: {  	[tilespmem:s21+$0x440] =	vst v1  }
0x6c: {  	[tilespmem:s21+$0x450] =	vst v3  }
0x6d: {  	[tilespmem:s21+$0x460] =	vst v4  }
0x6e: {  	s18 =	sadd.s32 $0x800, s18;
	s19 =	sadd.s32 $0x80, s19;
	[tilespmem:s21+$0xFFFFF800] =	vst v2  }
0x6f: {  	s18 =	sand.u32 $0x78, s14;
	s19 =	sshll.u32 s16, $0xC;
	s20 =	sshll.u32 s14, $0x3  }
0x70: {  	s29 =	sshll.u32 s16, $0x7;
	s15 =	sshll.u32 s15, $0x13;
	s19 =	sand.u32 $0x3F8000, s19  }
0x71: {  	s16 =	sand.u32 $0x380, s29;
	s19 =	sadd.s32 s19, s20;
	s20 =	sand.u32 $0xC00, s20  }
.Ltmp5:
0x72: {  	s16 =	sor.u32 s16, s18;
	s30 =	sshrl.u32 s19, $0x3;
	(pc) =	sbr.rel .LBB1_7-.Ltmp5, $4  }
0x73: {  	s15 =	sadd.s32 s5, s15;
	s16 =	sor.u32 s20, s16;
	s18 =	sand.u32 $0x7FE00, s30  }
0x74: {  	s16 =	sshrl.u32 s16, $0x3;
	s15 =	sadd.s32 s18, s15  }
0x75: {  	s31 =	sand.u32 $0x7, s14;
	s15 =	sadd.s32 s16, s15  }
0x76: {  	[hbm4b:s15+s31] =	stream.linear.scatter [tilespmem:s17], [sflag:$0x2], $0x4000, $0x38;
	[tilespmem:$0x10000] =	vst v63  }
.LBB1_8:
0x77: {  	_ =	sfence.sel $0x180000  }
0x78: {  	s1 =	simm.s32 $0x1;
	[bflag:$0x0] =	sbarrier.arrive $0xFFFF  }
0x79: {  	s31 =	simm.s32 $0x2;
	[sflag:s1] =	ssyncpa.u1 $0x1  }
0x7a: {  	[sflag:s31] =	ssyncpa.u1 $0x1  }
0x7b: {  	p0 =	sne.s32 s0, $0x0;
	_ =	strace $0x90000047  }
0x7c: {  	s0 =	sadd.s32 @!p0 $0x100000, s4;
	[bflag:$0x2] =	sbarrier.arrive $0xFFFF  }
0x7d: {  	[sflag:s0] =	ssyncadd.tile.s32 @!p0 $0x1;
	_ =	shalt  }
.Lfunc_end1:
_tile_overlayer_lowered:
.L_overlay_start_2:
0x7e: {  	(tag) =	ssettag $0x2  }
0x7f: {  	s0 =	rddreg [dreg:$0x0];
	s2 =	stileid.u32  }
0x80: {  	s1 =	rddreg [dreg:$0x1];
	p0 =	sne.s32 s2, $0x0  }
0x81: {  	s3 =	rddreg [dreg:$0x2];
	[bflag:$0x3] =	sbarrier.arrive $0xFFFF;
	s2 =	simm.s32 @!p0 $0x1C01  }
0x82: {  	[timem:s3], [sflag:s2] =	dma.local @!p0 [hbm:s0], s1  }
0x83: {  	s0 =	simm.s32 @!p0 $0x1  }
0x84: {  	_ =	swait.ge @!p0 [sflag:s0], s1  }
0x85: {  	s1 =	ssub.s32 @!p0 $0x0, s1;
	[sflag:s0] =	ssyncset.done @!p0 $0x0  }
0x86: {  	[sflag:s0] =	ssyncadd.s32 @!p0 s1  }
0x87: {  	[bflag:$0x3] =	sbarrier.arrive $0xFFFF  }
0x88: {  	_ =	shalt  }

// kernel: sparse-core-data-format-call.cloned.1.call-start
scs
called_computation_lowered:
.L_overlay_start_0:
0x0: {  	s2 =	sld [smem:$0x3FD9]  }
0x1: {  	s3 =	sld [smem:$0x3FFE];
	_ =	sdelay $0x1  }
0x2: {  	s1 =	srdreg.scid  }
0x3: {  	s0 =	sand.u32 $0x1, s1  }
0x4: {  	s18 =	sshll.u32 s0, $0xA;
	s2 =	sadd.s32 s3, s2  }
0x5: {  	s2 =	sadd.s32 s2, s18  }
0x6: {  	[smem:$0x3FC3] =	sst s2  }
0x7: {  	_ = 	snop  }
0x8: {  	s2 =	sld [smem:$0x3FD0];
	(tm) =	ssettm $0x1  }
0x9: {  	s19 =	sld [smem:$0x3FFB];
	_ =	sdelay $0x3  }
0xa: {  	_ =	strace s19  }
0xb: {  	s3 =	sld [smem:$0x3FFC];
	_ =	sdelay $0x3  }
0xc: {  	_ =	strace s3  }
0xd: {  	s3 =	sld [smem:$0x3FFD];
	_ =	sdelay $0x3  }
0xe: {  	_ =	strace s3  }
0xf: {  	_ =	strace $0x8FFFFFFF  }
0x10: {  	s20 =	sld [smem:$0x3FDB];
	_ =	sdelay $0x1  }
0x11: {  	s4 =	simm.s32 $_scs_section_size  }
0x12: {  	s5 =	simm.s32 $_size__tile_overlayer_lowered;
	s6 =	simm.s32 $_tile_overlayer_lowered  }
0x13: {  	s23 =	simm.s32 $0x1BFF;
	s22 =	sshll.u32 s6, $0x1;
	s3 =	sadd.s32 s4, s20  }
0x14: {  	s7 =	simm.s32 $0x0;
	s21 =	sshll.u32 s5, $0x1;
	s5 =	sadd.s32 s22, s3  }
0x15: {  	[timem:s7], [sflag:s23] =	dma.local [hbm:s5], s21  }
0x16: {  	_ =	swait.ge [sflag:s23], s21  }
0x17: {  	s4 =	ssub.s32 $0x0, s21;
	[sflag:s23] =	ssyncset.done $0x0  }
0x18: {  	[sflag:s23] =	ssyncadd.s32 s4;
	_ =	sdelay $0x1  }
0x19: {  	s24 =	simm.s32 $0x1B8B  }
0x1a: {  	_ =	swait.ge [sflag:s24], $0x1  }
0x1b: {  	[sflag:s24] =	ssyncset.done $0x0  }
0x1c: {  	s26 =	simm.s32 $0x1B8E;
	s25 =	sld [smem:$0x3FFE];
	[sflag:s24] =	ssyncadd.s32 $0xFFFFFFFF  }
0x1d: {  	s27 =	simm.s32 $execute0_lowered;
	[smem:$0x3FD2] =	sst s26  }
0x1e: {  	s5 =	sshll.u32 s27, $0x1;
	_ =	strace $0x8000004C;
	[dreg:$0x1] =	wrdreg $0xFFFFFFFF  }
0x1f: {  	s28 =	simm.s32 $_size_execute0_lowered;
	s3 =	sadd.s32 s3, s5;
	[dreg:$0x0] =	wrdreg $0x0  }
0x20: {  	s5 =	sshll.u32 s28, $0x1;
	[dreg:$0x2] =	wrdreg s3  }
0x21: {  	[dreg:$0x3] =	wrdreg s5  }
0x22: {  	[dreg:$0x4] =	wrdreg $0xC0  }
0x23: {  	_ =	task [dreg:s7], $0x5FFFF  }
0x24: {  	[dreg:$0x1] =	wrdreg $0xFFFFFFFF  }
0x25: {  	[dreg:$0x0] =	wrdreg $0x60  }
0x26: {  	[dreg:$0x2] =	wrdreg s25  }
0x27: {  	[dreg:$0x3] =	wrdreg s2  }
0x28: {  	[dreg:$0x4] =	wrdreg $0x9  }
0x29: {  	_ =	task.clear_ibuf [dreg:s7], $0x5FFFF;
	_ =	strace $0x9000004C  }
0x2a: {  	s29 =	simm.s32 $0x9;
	_ =	strace $0x8000004E  }
0x2b: {  	_ =	swait.ge [sflag:s29], $0x1  }
0x2c: {  	[sflag:s29] =	ssyncadd.s32 $0xFFFFFFFF  }
0x2d: {  	_ =	strace $0x9000004E  }
0x2e: {  	_ =	sfence  }
0x2f: {  	s30 =	sld [smem:$0x0];
	_ =	sdelay $0x2  }
0x30: {  	s31 =	sshll.u32 s1, $0xD;
	s1 =	sshrl.u32 s1, $0x2  }
0x31: {  	s3 =	sand.u32 $0x4000, s31;
	s1 =	sadd.s32 s1, s30  }
0x32: {  	s0 =	sor.u32 s3, s0;
	s1 =	sshll.u32 s1, $0x11  }
0x33: {  	s0 =	sor.u32 s1, s0  }
0x34: {  	s0 =	sadd.s32 $0x8F2B, s0  }
0x35: {  	[sflag:s0] =	ssyncadd.remote.s32 $0x1  }
0x36: {  	_ =	sfence.sel $0xFFFF  }
0x37: {  	[dreg:$0x0] =	wrdreg $0xFFFFFFFF;
	(pc) =	sbr.abs _section_cstart, $3  }
0x38: {  	[dreg:$0x1] =	wrdreg $0xFFFFFFFF  }
0x39: {  	_ =	task.clear_ibuf [dreg:s7], $0x2FFFF;
	_ =	strace $0x9FFFFFFF  }
0x3a: {  	(tm) =	ssettm $0x7FFFFFFF  }
0x3b: {  	_ =	shalt  }
tec
execute0_lowered:
.L_overlay_start_1:
0x0: {  	(tag) =	ssettag $0x1  }
0x1: {  	s0 =	stileid.u32;
	s7 =	rddreg [dreg:$0x0]  }
0x2: {  	s1 =	srdreg.scid;
	s4 =	rddreg [dreg:$0x1]  }
0x3: {  	s31 =	simm.s32 $0x2;
	s15 =	simm.s32 $0x0;
	s9 =	simm.s32 $0x1000  }
0x4: {  	s10 =	simm.s32 $0x0;
	s2 =	sshll.u32 s0, $0x2;
	s1 =	sshll.u32 s1, $0x6  }
0x5: {  	s16 =	simm.s32 $0x0;
	s2 =	sor.u32 s2, s1;
	s1 =	sand.u32 $0x1, s0  }
0x6: {  	s17 =	simm.s32 $0x0;
	s2 =	sand.u32 $0x78, s2;
	s3 =	ssub.s32 $0x2, s1  }
0x7: {  	s11 =	simm.s32 $0x0;
	s5 =	ssub.s32 $0x400, s2;
	s8 =	sshll.u32 s3, $0x1  }
0x8: {  	s14 =	simm.s32 $0x0;
	s6 =	sand.u32 $0x78, s5;
	s8 =	sand.u32 $0x2, s8  }
0x9: {  	s5 =	sshrl.u32 s5, $0x7;
	p0 =	sne.s32 s6, $0x0;
	s6 =	simm.s32 $0x1  }
.Ltmp0:
0xa: {  	s8 =	sadd.s32 s8, s3;
	s6 =	simm.s32 @!p0 $0x0;
	(pc) =	sbr.rel .LBB1_1-.Ltmp0, $4  }
0xb: {  	s3 =	rddreg [dreg:$0x2];
	s8 =	sand.u32 $0x6, s8;
	s6 =	sadd.s32 s6, s5  }
0xc: {  	_ =	strace $0x8000004D;
	s5 =	simm.s32 $0x1;
	s6 =	smul.u32 s6, s8  }
0xd: {  	s7 =	sadd.s32 $0x1600, s7;
	s13 =	smov.u32 s1;
	[sflag:s5] =	ssyncpa.u1 $0x0  }
0xe: {  	s12 =	smov.u32 s2;
	[sflag:s31] =	ssyncpa.u1 $0x0;
	s8 =	sor.u32 $0x1, s6  }
.LBB1_7:
0xf: {  	s18 =	sadd.s32 $0x800, s11  }
0x10: {  	s15 =	sadd.s32 $0x80, s12;
	s19 =	smov.u32 s12;
	p1 =	sgt.s32 s18, $0xFFF  }
0x11: {  	s19 =	smov.u32 @p1 s15  }
0x12: {  	s21 =	smov.u32 s13;
	s15 =	sadd.s32 $0x2, s13;
	p2 =	sgt.s32 s19, $0x3FF  }
0x13: {  	s21 =	smov.u32 @p2 s15  }
0x14: {  	s18 =	simm.s32 @p1 $0x0;
	p1 =	sgt.s32 s21, $0x1  }
0x15: {  	p0 =	slt.u32 s14, $0x2;
	s21 =	smov.u32 @p1 s1;
	p1 =	sne.s32 s14, s8  }
.Ltmp1:
0x16: {  	s20 =	simm.s32 @!p0 $0x2;
	(pc) =	sbr.rel @!p1 .LBB1_8-.Ltmp1, $4  }
0x17: {  	s16 =	smov.u32 s12;
	s17 =	smov.u32 s13;
	_ =	swait.ge @!p0 [sflag:s20], $0x4000  }
0x18: {  	s10 =	sadd.s32 $0x4000, s10;
	[sflag:s20] =	ssyncset.done @!p0 $0x0;
	s19 =	smov.u32 @p2 s2  }
0x19: {  	s15 =	smov.u32 s11;
	[sflag:s20] =	ssyncadd.s32 @!p0 $0xFFFFC000;
	s11 =	smov.u32 s18  }
0x1a: {  	s12 =	smov.u32 s19;
	s14 =	sadd.s32 $0x1, s14;
	s13 =	smov.u32 s21  }
.LBB1_1:
0x1b: {  	p0 =	sge.u32 s14, s6;
	s31 =	sadd.s32 $0xFFFFFFFF, s14  }
0x1c: {  	s18 =	sxor.u32 @!p0 $0xFFFFFFFF, s14;
	s19 =	sand.u32 @!p0 $0x78, s11;
	s20 =	sshll.u32 @!p0 s12, $0xC  }
0x1d: {  	s21 =	sshll.u32 @!p0 s11, $0x3;
	s22 =	sshll.u32 @!p0 s12, $0x7;
	s20 =	sand.u32 @!p0 $0x3F8000, s20  }
0x1e: {  	s22 =	sand.u32 @!p0 $0x380, s22;
	s20 =	sadd.s32 @!p0 s20, s21;
	s21 =	sand.u32 @!p0 $0xC00, s21  }
0x1f: {  	s19 =	sor.u32 @!p0 s22, s19;
	s22 =	sshll.u32 @!p0 s13, $0x13;
	s20 =	sshrl.u32 @!p0 s20, $0x3  }
0x20: {  	s19 =	sor.u32 @!p0 s21, s19;
	s21 =	sadd.s32 @!p0 s7, s22;
	s20 =	sand.u32 @!p0 $0x7FE00, s20  }
0x21: {  	s18 =	sshll.u32 @!p0 s18, $0xE;
	s19 =	sshrl.u32 @!p0 s19, $0x3;
	s20 =	sadd.s32 @!p0 s20, s21  }
0x22: {  	s18 =	sand.u32 @!p0 $0x4000, s18;
	s19 =	sadd.s32 @!p0 s19, s20;
	s20 =	sand.u32 @!p0 $0x7, s11  }
0x23: {  	[tilespmem:s18], [sflag:$0x1] =	stream.linear.gather @!p0 [hbm4b:s19+s20], $0x4000, $0x38;
	[tilespmem:$0x10000] =	vst v63  }
0x24: {  	p0 =	sge.u32 s31, s6  }
.Ltmp2:
0x25: {  	_ = 	snop;
	(pc) =	sbr.rel @p0 .LBB1_7-.Ltmp2, $1  }
0x26: {  	_ =	sdelay $0x3  }
0x27: {  	s18 =	sand.u32 $0x4000, s10  }
0x28: {  	_ =	swait.ge [sflag:s5], $0x4000;
	s21 =	sshll.u32 s14, $0xE;
	s19 =	sor.u32 $0x8100, s18  }
0x29: {  	s20 =	sor.u32 $0x800, s18;
	[sflag:s5] =	ssyncset.done $0x0;
	s31 =	sand.u32 $0x4000, s21  }
0x2a: {  	s21 =	simm.s32 $0x0;
	[sflag:s5] =	ssyncadd.s32 $0xFFFFC000;
	s18 =	sor.u32 $0x8000, s31  }
.LBB1_3:
0x2b: {  	v0 =	vld [tilespmem:s20+$0x470]  }
0x2c: {  	v1 =	vld [tilespmem:s20+$0xFFFFF810]  }
0x2d: {  	v2 =	vld [tilespmem:s20+$0xFFFFF820]  }
0x2e: {  	v3 =	vld [tilespmem:s20+$0xFFFFF830]  }
0x2f: {  	v4 =	vld [tilespmem:s20+$0xFFFFF840]  }
0x30: {  	v5 =	vld [tilespmem:s20+$0xFFFFF850];
	[tilespmem:s19+$0xF0] =	vst v0  }
0x31: {  	[tilespmem:s19+$0xFFFFFF10] =	vst v1;
	v0 =	vld [tilespmem:s20+$0xFFFFF860]  }
0x32: {  	[tilespmem:s19+$0xFFFFFF20] =	vst v2;
	v1 =	vld [tilespmem:s20+$0xFFFFF870]  }
0x33: {  	[tilespmem:s19+$0xFFFFFF30] =	vst v3;
	v2 =	vld [tilespmem:s20+$0xFFFFFC00]  }
0x34: {  	[tilespmem:s19+$0xFFFFFF40] =	vst v4;
	v3 =	vld [tilespmem:s20+$0xFFFFFC10]  }
0x35: {  	[tilespmem:s19+$0xFFFFFF50] =	vst v5;
	v4 =	vld [tilespmem:s20+$0xFFFFFC20]  }
0x36: {  	v5 =	vld [tilespmem:s20+$0x420];
	[tilespmem:s19+$0xFFFFFF60] =	vst v0  }
0x37: {  	v0 =	vld [tilespmem:s20+$0xFFFFFC30];
	[tilespmem:s19+$0xFFFFFF70] =	vst v1  }
0x38: {  	v1 =	vld [tilespmem:s20+$0xFFFFFC40];
	[tilespmem:s19+$0xFFFFFF80] =	vst v2  }
0x39: {  	[tilespmem:s19+$0xFFFFFF90] =	vst v3;
	v3 =	vld [tilespmem:s20+$0xFFFFFC60]  }
0x3a: {  	[tilespmem:s19+$0xFFFFFFA0] =	vst v4;
	v4 =	vld [tilespmem:s20+$0xFFFFFC70]  }
0x3b: {  	v2 =	vld [tilespmem:s20+$0xFFFFFC50];
	[tilespmem:s19+$0xA0] =	vst v5  }
0x3c: {  	[tilespmem:s19+$0xFFFFFFB0] =	vst v0;
	v0 =	vld [tilespmem:s20+$0x0]  }
0x3d: {  	[tilespmem:s19+$0xFFFFFFC0] =	vst v1;
	v1 =	vld [tilespmem:s20+$0x10]  }
0x3e: {  	[tilespmem:s19+$0xFFFFFFE0] =	vst v3;
	v3 =	vld [tilespmem:s20+$0x30]  }
0x3f: {  	[tilespmem:s19+$0xFFFFFFF0] =	vst v4;
	v4 =	vld [tilespmem:s20+$0x40]  }
0x40: {  	[tilespmem:s19+$0xFFFFFFD0] =	vst v2;
	v2 =	vld [tilespmem:s20+$0x20]  }
0x41: {  	[tilespmem:s19+$0x0] =	vst v0;
	v0 =	vld [tilespmem:s20+$0x50]  }
0x42: {  	[tilespmem:s19+$0x10] =	vst v1;
	v1 =	vld [tilespmem:s20+$0x60]  }
0x43: {  	[tilespmem:s19+$0x30] =	vst v3;
	v3 =	vld [tilespmem:s20+$0x400]  }
0x44: {  	[tilespmem:s19+$0x40] =	vst v4;
	v4 =	vld [tilespmem:s20+$0x410]  }
0x45: {  	[tilespmem:s19+$0x20] =	vst v2;
	v2 =	vld [tilespmem:s20+$0x70]  }
0x46: {  	[tilespmem:s19+$0x50] =	vst v0;
	v0 =	vld [tilespmem:s20+$0x430]  }
0x47: {  	[tilespmem:s19+$0x60] =	vst v1;
	v1 =	vld [tilespmem:s20+$0x440]  }
0x48: {  	[tilespmem:s19+$0x80] =	vst v3;
	v3 =	vld [tilespmem:s20+$0x450]  }
0x49: {  	[tilespmem:s19+$0x90] =	vst v4;
	v4 =	vld [tilespmem:s20+$0x460]  }
0x4a: {  	s23 =	simm.s32 $0x0;
	s24 =	sadd.s32 $0x1000, s20;
	s22 =	smov.u32 s19;
	[tilespmem:s19+$0x70] =	vst v2;
	v2 =	vld [tilespmem:s20+$0xFFFFF800]  }
.LBB1_4:
0x4b: {  	v5 =	vld [tilespmem:s24+$0x470];
	s23 =	sadd.s32 $0x200, s23;
	[tilespmem:s22+$0xB0] =	vst v0  }
0x4c: {  	v0 =	vld [tilespmem:s24+$0xFFFFF810];
	p0 =	slt.u32 s23, $0x600;
	[tilespmem:s22+$0xC0] =	vst v1  }
0x4d: {  	v1 =	vld [tilespmem:s24+$0xFFFFF820];
	[tilespmem:s22+$0xD0] =	vst v3  }
0x4e: {  	v3 =	vld [tilespmem:s24+$0xFFFFF830];
	[tilespmem:s22+$0xE0] =	vst v4  }
0x4f: {  	v4 =	vld [tilespmem:s24+$0xFFFFF840];
	[tilespmem:s22+$0xFFFFFF00] =	vst v2;
	s22 =	sadd.s32 $0x200, s22  }
0x50: {  	v2 =	vld [tilespmem:s24+$0xFFFFF850];
	[tilespmem:s22+$0xF0] =	vst v5  }
0x51: {  	[tilespmem:s22+$0xFFFFFF10] =	vst v0;
	v0 =	vld [tilespmem:s24+$0xFFFFF860]  }
0x52: {  	[tilespmem:s22+$0xFFFFFF20] =	vst v1;
	v1 =	vld [tilespmem:s24+$0xFFFFF870]  }
0x53: {  	[tilespmem:s22+$0xFFFFFF30] =	vst v3;
	v3 =	vld [tilespmem:s24+$0xFFFFFC00]  }
0x54: {  	[tilespmem:s22+$0xFFFFFF40] =	vst v4;
	v4 =	vld [tilespmem:s24+$0xFFFFFC10]  }
0x55: {  	[tilespmem:s22+$0xFFFFFF50] =	vst v2;
	v2 =	vld [tilespmem:s24+$0xFFFFFC20]  }
0x56: {  	[tilespmem:s22+$0xFFFFFF60] =	vst v0;
	v0 =	vld [tilespmem:s24+$0xFFFFFC30]  }
0x57: {  	[tilespmem:s22+$0xFFFFFF70] =	vst v1;
	v1 =	vld [tilespmem:s24+$0xFFFFFC40]  }
0x58: {  	[tilespmem:s22+$0xFFFFFF80] =	vst v3;
	v3 =	vld [tilespmem:s24+$0xFFFFFC50]  }
0x59: {  	[tilespmem:s22+$0xFFFFFF90] =	vst v4;
	v4 =	vld [tilespmem:s24+$0xFFFFFC60]  }
0x5a: {  	[tilespmem:s22+$0xFFFFFFA0] =	vst v2;
	v2 =	vld [tilespmem:s24+$0xFFFFFC70]  }
0x5b: {  	[tilespmem:s22+$0xFFFFFFB0] =	vst v0;
	v0 =	vld [tilespmem:s24+$0x0]  }
0x5c: {  	[tilespmem:s22+$0xFFFFFFC0] =	vst v1;
	v1 =	vld [tilespmem:s24+$0x10]  }
0x5d: {  	[tilespmem:s22+$0xFFFFFFD0] =	vst v3;
	v3 =	vld [tilespmem:s24+$0x20]  }
0x5e: {  	[tilespmem:s22+$0xFFFFFFE0] =	vst v4;
	v4 =	vld [tilespmem:s24+$0x30]  }
0x5f: {  	[tilespmem:s22+$0xFFFFFFF0] =	vst v2;
	v2 =	vld [tilespmem:s24+$0x40]  }
0x60: {  	[tilespmem:s22+$0x0] =	vst v0;
	v0 =	vld [tilespmem:s24+$0x50]  }
0x61: {  	[tilespmem:s22+$0x10] =	vst v1;
	v1 =	vld [tilespmem:s24+$0x60]  }
0x62: {  	[tilespmem:s22+$0x20] =	vst v3;
	v3 =	vld [tilespmem:s24+$0x70]  }
0x63: {  	[tilespmem:s22+$0x30] =	vst v4;
	v4 =	vld [tilespmem:s24+$0x400]  }
0x64: {  	[tilespmem:s22+$0x40] =	vst v2;
	v2 =	vld [tilespmem:s24+$0x410]  }
0x65: {  	[tilespmem:s22+$0x50] =	vst v0;
	v5 =	vld [tilespmem:s24+$0x420]  }
.Ltmp3:
0x66: {  	[tilespmem:s22+$0x60] =	vst v1;
	v0 =	vld [tilespmem:s24+$0x430];
	(pc) =	sbr.rel @p0 .LBB1_4-.Ltmp3, $4  }
0x67: {  	[tilespmem:s22+$0x70] =	vst v3;
	v1 =	vld [tilespmem:s24+$0x440]  }
0x68: {  	[tilespmem:s22+$0x80] =	vst v4;
	v3 =	vld [tilespmem:s24+$0x450]  }
0x69: {  	[tilespmem:s22+$0x90] =	vst v2;
	v4 =	vld [tilespmem:s24+$0x460]  }
0x6a: {  	v2 =	vld [tilespmem:s24+$0xFFFFF800];
	[tilespmem:s22+$0xA0] =	vst v5;
	s24 =	sadd.s32 $0x1000, s24  }
0x6b: {  	s21 =	sadd.s32 $0x1, s21  }
0x6c: {  	p0 =	sne.s32 s21, $0x8  }
.Ltmp4:
0x6d: {  	[tilespmem:s22+$0xB0] =	vst v0;
	(pc) =	sbr.rel @p0 .LBB1_3-.Ltmp4, $4  }
0x6e: {  	[tilespmem:s22+$0xC0] =	vst v1  }
0x6f: {  	[tilespmem:s22+$0xD0] =	vst v3  }
0x70: {  	[tilespmem:s22+$0xE0] =	vst v4  }
0x71: {  	s19 =	sadd.s32 $0x800, s19;
	s20 =	sadd.s32 $0x80, s20;
	[tilespmem:s22+$0xFFFFFF00] =	vst v2  }
.Ltmp5:
0x72: {  	s17 =	sshll.u32 s17, $0x13;
	s16 =	sshll.u32 s16, $0x9;
	(pc) =	sbr.rel .LBB1_7-.Ltmp5, $4  }
0x73: {  	s19 =	sshrl.u32 s15, $0x3;
	s31 =	sand.u32 $0x7, s15;
	s17 =	sadd.s32 s4, s17  }
0x74: {  	s19 =	sand.u32 $0x1FF, s19;
	s15 =	sshll.u32 s31, $0x12;
	s16 =	sadd.s32 s16, s17  }
0x75: {  	s15 =	sor.u32 $0x800, s15;
	s16 =	sadd.s32 s19, s16  }
0x76: {  	[hbm4b:s16+s15] =	stream.strided.scatter [tilespmem:s18], [sflag:$0x2], $0x4000, s9, s15, $0x38;
	[tilespmem:$0x10000] =	vst v63  }
.LBB1_8:
0x77: {  	_ =	sfence.sel $0x180000  }
0x78: {  	s1 =	simm.s32 $0x1;
	[bflag:$0x0] =	sbarrier.arrive $0xFFFF  }
0x79: {  	s31 =	simm.s32 $0x2;
	[sflag:s1] =	ssyncpa.u1 $0x1  }
0x7a: {  	[sflag:s31] =	ssyncpa.u1 $0x1  }
0x7b: {  	p0 =	sne.s32 s0, $0x0;
	_ =	strace $0x9000004D  }
0x7c: {  	s0 =	sadd.s32 @!p0 $0x100000, s3;
	[bflag:$0x2] =	sbarrier.arrive $0xFFFF  }
0x7d: {  	[sflag:s0] =	ssyncadd.tile.s32 @!p0 $0x1;
	_ =	shalt  }
.Lfunc_end1:
_tile_overlayer_lowered:
.L_overlay_start_2:
0x7e: {  	(tag) =	ssettag $0x2  }
0x7f: {  	s0 =	rddreg [dreg:$0x0];
	s2 =	stileid.u32  }
0x80: {  	s1 =	rddreg [dreg:$0x1];
	p0 =	sne.s32 s2, $0x0  }
0x81: {  	s3 =	rddreg [dreg:$0x2];
	[bflag:$0x3] =	sbarrier.arrive $0xFFFF;
	s2 =	simm.s32 @!p0 $0x1C01  }
0x82: {  	[timem:s3], [sflag:s2] =	dma.local @!p0 [hbm:s0], s1  }
0x83: {  	s0 =	simm.s32 @!p0 $0x1  }
0x84: {  	_ =	swait.ge @!p0 [sflag:s0], s1  }
0x85: {  	s1 =	ssub.s32 @!p0 $0x0, s1;
	[sflag:s0] =	ssyncset.done @!p0 $0x0  }
0x86: {  	[sflag:s0] =	ssyncadd.s32 @!p0 s1  }
0x87: {  	[bflag:$0x3] =	sbarrier.arrive $0xFFFF  }
0x88: {  	_ =	shalt  }

</sc_bundles>
